<compile_context>
chip_gen: v7x
topology: tpu7x:2x2x1
jax: 0.10.2.dev20260603
libtpu: 0.0.44.dev20260713+nightly
codegen_flags: <defaults>
</compile_context>

<pallas_src>
import numpy as np
import jax
import jax.numpy as jnp
from jax.experimental import pallas as pl
from jax.experimental.pallas import tpu as pltpu

_STRIDES = (8, 16, 32)
_RATIOS = np.array([0.5, 1.0, 2.0], dtype=np.float32)
_SCALE = 8.0
_NUM_PRE_NMS = 2000
_MAX_PER_IMG = 1000
_NMS_THR = 0.7
_MAX_RATIO = float(np.log(1000.0 / 16.0))
_C = 128
_INTERPRET = False


def _grid_anchors_np(H, W, stride):
    hr = np.sqrt(_RATIOS)
    wr = 1.0 / hr
    ws = stride * _SCALE * wr
    hs = stride * _SCALE * hr
    base = np.stack([-ws / 2.0, -hs / 2.0, ws / 2.0, hs / 2.0], axis=1).astype(np.float32)
    sx = np.arange(W, dtype=np.float32) * stride
    sy = np.arange(H, dtype=np.float32) * stride
    yy, xx = np.meshgrid(sy, sx, indexing='ij')
    shifts = np.stack([xx.ravel(), yy.ravel(), xx.ravel(), yy.ravel()], axis=1)
    return (shifts[:, None, :] + base[None, :, :]).reshape(-1, 4).astype(np.float32)


def _nms_kernel(ax1, ay1, ax2, ay2, rdx, rdy, rdw, rdh, wb,
                ox1, oy1, ox2, oy2, okeep, alive):
    NP = ax1.shape[-1]
    wv = wb[:, 0:1]

    a_x1 = ax1[0]
    a_y1 = ay1[0]
    a_x2 = ax2[0]
    a_y2 = ay2[0]
    d_x = rdx[0]
    d_y = rdy[0]
    d_w = jnp.clip(rdw[0], -_MAX_RATIO, _MAX_RATIO)
    d_h = jnp.clip(rdh[0], -_MAX_RATIO, _MAX_RATIO)

    px = (a_x1 + a_x2) * 0.5
    py = (a_y1 + a_y2) * 0.5
    pw = a_x2 - a_x1
    ph = a_y2 - a_y1
    gx = px + pw * d_x
    gy = py + ph * d_y
    gw = pw * jnp.exp(d_w)
    gh = ph * jnp.exp(d_h)
    x1 = jnp.minimum(jnp.maximum(gx - gw * 0.5, 0.0), wv)
    y1 = jnp.minimum(jnp.maximum(gy - gh * 0.5, 0.0), wv)
    x2 = jnp.minimum(jnp.maximum(gx + gw * 0.5, 0.0), wv)
    y2 = jnp.minimum(jnp.maximum(gy + gh * 0.5, 0.0), wv)

    ox1[0] = x1
    oy1[0] = y1
    ox2[0] = x2
    oy2[0] = y2

    ok = (x2 > x1) & (y2 > y1)
    alive[...] = ok.astype(jnp.float32)

    area_all = (x2 - x1) * (y2 - y1)
    colid = jax.lax.broadcasted_iota(jnp.int32, (1, NP), 1)
    rj = jax.lax.broadcasted_iota(jnp.int32, (_C, _C), 0)
    ci = jax.lax.broadcasted_iota(jnp.int32, (_C, _C), 1)
    tri = rj < ci

    def chunk_body(k, carry):
        c0 = k * _C
        rx1 = ox1[0, :, pl.ds(c0, _C)]
        ry1 = oy1[0, :, pl.ds(c0, _C)]
        rx2 = ox2[0, :, pl.ds(c0, _C)]
        ry2 = oy2[0, :, pl.ds(c0, _C)]
        cx1 = jnp.transpose(rx1)
        cy1 = jnp.transpose(ry1)
        cx2 = jnp.transpose(rx2)
        cy2 = jnp.transpose(ry2)
        arear = (rx2 - rx1) * (ry2 - ry1)
        areac = jnp.transpose(arear)
        al_k = alive[:, pl.ds(c0, _C)] > 0.0

        ix1 = jnp.maximum(cx1, rx1)
        iy1 = jnp.maximum(cy1, ry1)
        ix2 = jnp.minimum(cx2, rx2)
        iy2 = jnp.minimum(cy2, ry2)
        inter = jnp.maximum(ix2 - ix1, 0.0) * jnp.maximum(iy2 - iy1, 0.0)
        iou = inter / (((areac + arear) - inter) + 1e-9)
        M = (iou > _NMS_THR) & tri

        def wcond(st):
            return (st[2] > 0) & (st[0] < _C)

        def wbody(st):
            t, krf, _ = st
            kcf = jnp.transpose(krf)
            sup = jnp.any(M & (kcf > 0.0), axis=0, keepdims=True)
            nkf = (al_k & jnp.logical_not(sup)).astype(jnp.float32)
            ch = jnp.any(nkf != krf)
            return (t + 1, nkf, jnp.where(ch, jnp.int32(1), jnp.int32(0)))

        _, keep_f, _ = jax.lax.while_loop(
            wcond, wbody, (jnp.int32(0), al_k.astype(jnp.float32), jnp.int32(1)))
        keep_row = keep_f > 0.0

        okeep[0, :, pl.ds(c0, _C)] = keep_f

        jx1 = jnp.maximum(cx1, x1)
        jy1 = jnp.maximum(cy1, y1)
        jx2 = jnp.minimum(cx2, x2)
        jy2 = jnp.minimum(cy2, y2)
        jinter = jnp.maximum(jx2 - jx1, 0.0) * jnp.maximum(jy2 - jy1, 0.0)
        jiou = jinter / (((areac + area_all) - jinter) + 1e-9)
        kc = jnp.transpose(keep_row)
        supa = jnp.any((jiou > _NMS_THR) & kc, axis=0, keepdims=True)
        supa = supa & (colid >= c0 + _C)
        alive[...] = jnp.where(supa, 0.0, alive[...])
        return carry

    jax.lax.fori_loop(0, NP // _C, chunk_body, 0)


def _flatten_level(cls_o, reg_o):
    B = cls_o.shape[0]
    logits = jnp.transpose(cls_o, (0, 2, 3, 1)).reshape(B, -1)
    deltas = jnp.transpose(reg_o, (0, 2, 3, 1)).reshape(B, -1, 4)
    return logits, deltas


def kernel(cls_out_0, cls_out_1, cls_out_2, reg_out_0, reg_out_1, reg_out_2, image_size):
    cls_outs = [cls_out_0, cls_out_1, cls_out_2]
    reg_outs = [reg_out_0, reg_out_1, reg_out_2]
    B = cls_out_0.shape[0]

    logit_sel, delta_sel, anchor_sel = [], [], []
    for c, r, s in zip(cls_outs, reg_outs, _STRIDES):
        anchors = jnp.asarray(_grid_anchors_np(c.shape[2], c.shape[3], s))
        logits, deltas = _flatten_level(c, r)
        k = min(_NUM_PRE_NMS, logits.shape[1])
        top_l, top_i = jax.lax.top_k(logits, k)
        logit_sel.append(top_l)
        delta_sel.append(jnp.take_along_axis(deltas, top_i[..., None], axis=1))
        anchor_sel.append(anchors[top_i])
    logits_c = jnp.concatenate(logit_sel, axis=1)
    deltas_c = jnp.concatenate(delta_sel, axis=1)
    anchors_c = jnp.concatenate(anchor_sel, axis=1)
    N = logits_c.shape[1]
    scores = jax.nn.sigmoid(logits_c)

    order = jnp.argsort(-scores, axis=-1)
    scores_s = jnp.take_along_axis(scores, order, axis=1)
    deltas_s = jnp.take_along_axis(deltas_c, order[..., None], axis=1)
    anchors_s = jnp.take_along_axis(anchors_c, order[..., None], axis=1)

    NP = ((N + _C - 1) // _C) * _C
    pad = NP - N
    deltas_s = jnp.pad(deltas_s, ((0, 0), (0, pad), (0, 0)))
    anchors_s = jnp.pad(anchors_s, ((0, 0), (0, pad), (0, 0)))

    def col(a, j):
        return a[:, :, j].reshape(B, 1, NP)

    w_f = jnp.full((1, 128), jnp.asarray(image_size, jnp.float32))

    in_specs = [pl.BlockSpec((1, 1, NP), lambda b: (b, 0, 0)) for _ in range(8)]
    in_specs.append(pl.BlockSpec((1, 128), lambda b: (0, 0)))
    out_specs = [pl.BlockSpec((1, 1, NP), lambda b: (b, 0, 0)) for _ in range(5)]
    outs = pl.pallas_call(
        _nms_kernel,
        grid=(B,),
        in_specs=in_specs,
        out_specs=out_specs,
        out_shape=[jax.ShapeDtypeStruct((B, 1, NP), jnp.float32)] * 5,
        scratch_shapes=[pltpu.VMEM((1, NP), jnp.float32)],
        interpret=_INTERPRET,
    )(col(anchors_s, 0), col(anchors_s, 1), col(anchors_s, 2), col(anchors_s, 3),
      col(deltas_s, 0), col(deltas_s, 1), col(deltas_s, 2), col(deltas_s, 3),
      w_f)

    x1o, y1o, x2o, y2o, keepf = outs
    boxes_s = jnp.stack([x1o[:, 0, :N], y1o[:, 0, :N], x2o[:, 0, :N], y2o[:, 0, :N]],
                        axis=-1)
    keep = keepf[:, 0, :N] > 0.5

    rank = jnp.cumsum(keep.astype(jnp.int32), axis=1) - 1
    valid = keep & (rank < _MAX_PER_IMG)
    pos = jnp.where(valid, rank, _MAX_PER_IMG)
    bi = jnp.arange(B)[:, None]
    out_b = jnp.zeros((B, _MAX_PER_IMG, 4), jnp.float32).at[bi, pos].set(
        boxes_s, mode='drop')
    out_s = jnp.zeros((B, _MAX_PER_IMG), jnp.float32).at[bi, pos].set(
        scores_s, mode='drop')
    out_l = jnp.zeros((B, _MAX_PER_IMG), jnp.int32)
    return out_b, out_s, out_l

# --- scband reference (transcript-rebuilt; emitter-appended) ---
"""Pipeline reference for scband-dense2-det-39204461478180 (READ-ONLY COPY).

The authoritative reference and input builder live on the scoring server;
editing this copy changes nothing except your own understanding.
"""

import jax, jax.numpy as jnp
import numpy as np

STRIDES = (8, 16, 32)
RATIOS = np.array([0.5, 1.0, 2.0], dtype=np.float32)
SCALE = 8.0
NUM_PRE_NMS = 2000
MAX_PER_IMG = 1000
NMS_THR = 0.7
MAX_RATIO = float(np.log(1000.0 / 16.0))


def _grid_anchors(H, W, stride):
    hr = np.sqrt(RATIOS)
    wr = 1.0 / hr
    ws = stride * SCALE * wr
    hs = stride * SCALE * hr
    base = jnp.asarray(np.stack([-ws / 2.0, -hs / 2.0, ws / 2.0, hs / 2.0], axis=1), dtype=jnp.float32)
    sx = jnp.arange(W, dtype=jnp.float32) * stride
    sy = jnp.arange(H, dtype=jnp.float32) * stride
    yy, xx = jnp.meshgrid(sy, sx, indexing='ij')
    shifts = jnp.stack([xx.ravel(), yy.ravel(), xx.ravel(), yy.ravel()], axis=1)
    return (shifts[:, None, :] + base[None, :, :]).reshape(-1, 4)


def _level_topk(cls, reg, anchors):
    # cls: [A, H, W]; reg: [4A, H, W]; anchors: [H*W*A, 4]
    reg2 = jnp.transpose(reg, (1, 2, 0)).reshape(-1, 4)
    scores = jax.nn.sigmoid(jnp.transpose(cls, (1, 2, 0)).reshape(reg2.shape[0], -1))
    nc = scores.shape[1]
    flat = scores.reshape(-1)
    # score_thr = 0.0 and sigmoid > 0 everywhere, so the valid-mask keeps all
    # entries; sorting + truncation is exactly top_k of the flattened scores.
    k = min(NUM_PRE_NMS, flat.shape[0])
    top_s, top_i = jax.lax.top_k(flat, k)
    keep_i = top_i // nc
    labels = top_i % nc
    return top_s, labels, reg2[keep_i], anchors[keep_i]


def _decode(anchors, deltas, img_h, img_w):
    px = (anchors[:, 0] + anchors[:, 2]) * 0.5
    py = (anchors[:, 1] + anchors[:, 3]) * 0.5
    pw = anchors[:, 2] - anchors[:, 0]
    ph = anchors[:, 3] - anchors[:, 1]
    dx = deltas[:, 0]
    dy = deltas[:, 1]
    dw = jnp.clip(deltas[:, 2], -MAX_RATIO, MAX_RATIO)
    dh = jnp.clip(deltas[:, 3], -MAX_RATIO, MAX_RATIO)
    gx = px + pw * dx
    gy = py + ph * dy
    gw = pw * jnp.exp(dw)
    gh = ph * jnp.exp(dh)
    x1 = jnp.clip(gx - gw * 0.5, 0.0, img_w)
    y1 = jnp.clip(gy - gh * 0.5, 0.0, img_h)
    x2 = jnp.clip(gx + gw * 0.5, 0.0, img_w)
    y2 = jnp.clip(gy + gh * 0.5, 0.0, img_h)
    return jnp.stack([x1, y1, x2, y2], axis=1)


def _nms_pad(boxes, scores, labels):
    # Greedy batched NMS (class-offset trick) with fixed-size padded output.
    N = boxes.shape[0]
    b_s = jax.lax.stop_gradient(boxes)
    s_s = jax.lax.stop_gradient(scores)
    order = jnp.argsort(-s_s)
    bo = b_s[order]
    # filter_boxes with min_box_size=(0,0): require strictly positive w, h
    wh_ok = (bo[:, 2] > bo[:, 0]) & (bo[:, 3] > bo[:, 1])
    off = labels[order].astype(jnp.float32)[:, None] * (jnp.max(b_s) + 1.0)
    bb = bo + off
    area = (bb[:, 2] - bb[:, 0]) * (bb[:, 3] - bb[:, 1])
    ix1 = jnp.maximum(bb[:, None, 0], bb[None, :, 0])
    iy1 = jnp.maximum(bb[:, None, 1], bb[None, :, 1])
    ix2 = jnp.minimum(bb[:, None, 2], bb[None, :, 2])
    iy2 = jnp.minimum(bb[:, None, 3], bb[None, :, 3])
    inter = jnp.clip(ix2 - ix1, 0.0) * jnp.clip(iy2 - iy1, 0.0)
    iou = inter / (area[:, None] + area[None, :] - inter + 1e-9)
    idxs = jnp.arange(N)

    def body(i, keep):
        sup = (iou[i] > NMS_THR) & (idxs > i) & keep[i]
        return keep & jnp.logical_not(sup)

    keep = jax.lax.fori_loop(0, N, body, wh_ok)
    rank = jnp.cumsum(keep.astype(jnp.int32)) - 1
    valid = keep & (rank < MAX_PER_IMG)
    pos = jnp.where(valid, rank, MAX_PER_IMG)
    out_b = jnp.zeros((MAX_PER_IMG, 4), jnp.float32).at[pos].set(boxes[order], mode='drop')
    out_s = jnp.zeros((MAX_PER_IMG,), jnp.float32).at[pos].set(scores[order], mode='drop')
    out_l = jnp.zeros((MAX_PER_IMG,), jnp.int32).at[pos].set(labels[order].astype(jnp.int32), mode='drop')
    return out_b, out_s, out_l


def _forward(cls_outs, reg_outs, image_size):
    anchors = [_grid_anchors(c.shape[2], c.shape[3], s) for c, s in zip(cls_outs, STRIDES)]
    B = cls_outs[0].shape[0]
    H = jnp.asarray(image_size, jnp.float32)
    W = jnp.asarray(image_size, jnp.float32)
    boxes_b, scores_b, labels_b = [], [], []
    for img in range(B):
        cs, ls, rs, ans = [], [], [], []
        for c, r, a in zip(cls_outs, reg_outs, anchors):
            s, l, rg, an = _level_topk(c[img], r[img], a)
            cs.append(s)
            ls.append(l)
            rs.append(rg)
            ans.append(an)
        scores = jnp.concatenate(cs)
        labels = jnp.concatenate(ls)
        boxes = _decode(jnp.concatenate(ans), jnp.concatenate(rs), H, W)
        ob, osc, ol = _nms_pad(boxes, scores, labels)
        boxes_b.append(ob)
        scores_b.append(osc)
        labels_b.append(ol)
    return jnp.stack(boxes_b), jnp.stack(scores_b), jnp.stack(labels_b)


def setup_inputs(seed: int = 0) -> dict:
    key = jax.random.key(seed)
    ks = jax.random.split(key, 6)
    shapes_c = [(2, 3, 64, 64), (2, 3, 32, 32), (2, 3, 16, 16)]
    shapes_r = [(2, 12, 64, 64), (2, 12, 32, 32), (2, 12, 16, 16)]
    inp = {}
    for i in range(3):
        inp['cls_out_%d' % i] = jax.random.normal(ks[i], shapes_c[i], dtype=jnp.float32)
        inp['reg_out_%d' % i] = jax.random.normal(ks[3 + i], shapes_r[i], dtype=jnp.float32)
    inp['image_size'] = 512
    return inp


def reference(cls_out_0, cls_out_1, cls_out_2, reg_out_0, reg_out_1, reg_out_2, image_size):
    return _forward([cls_out_0, cls_out_1, cls_out_2], [reg_out_0, reg_out_1, reg_out_2], image_size)

if __name__ == "__main__":
    import jax
    _d = setup_inputs()
    print(jax.jit(kernel)(*tuple(_d.values())))

</pallas_src>

<mosaic_0001>
module attributes {stable_mosaic.version = 14 : i64} {
  func.func @_nms_kernel(%arg0: i32, %arg1: memref<1x1x6016xf32, #tpu.memory_space<vmem>>, %arg2: memref<1x1x6016xf32, #tpu.memory_space<vmem>>, %arg3: memref<1x1x6016xf32, #tpu.memory_space<vmem>>, %arg4: memref<1x1x6016xf32, #tpu.memory_space<vmem>>, %arg5: memref<1x1x6016xf32, #tpu.memory_space<vmem>>, %arg6: memref<1x1x6016xf32, #tpu.memory_space<vmem>>, %arg7: memref<1x1x6016xf32, #tpu.memory_space<vmem>>, %arg8: memref<1x1x6016xf32, #tpu.memory_space<vmem>>, %arg9: memref<1x128xf32, #tpu.memory_space<vmem>>, %arg10: memref<1x1x6016xf32, #tpu.memory_space<vmem>>, %arg11: memref<1x1x6016xf32, #tpu.memory_space<vmem>>, %arg12: memref<1x1x6016xf32, #tpu.memory_space<vmem>>, %arg13: memref<1x1x6016xf32, #tpu.memory_space<vmem>>, %arg14: memref<1x1x6016xf32, #tpu.memory_space<vmem>>, %arg15: memref<1x6016xf32, #tpu.memory_space<vmem>>) attributes {dimension_semantics = [#tpu.dimension_semantics<arbitrary>], iteration_bounds = array<i64: 2>, scalar_prefetch = 0 : i64, scratch_operands = 1 : i64, tpu.core_type = #tpu.core_type<tc>, window_params = [{transform_indices = @transform_0, window_bounds = array<i64: 1, 1, 6016>}, {transform_indices = @transform_1, window_bounds = array<i64: 1, 1, 6016>}, {transform_indices = @transform_2, window_bounds = array<i64: 1, 1, 6016>}, {transform_indices = @transform_3, window_bounds = array<i64: 1, 1, 6016>}, {transform_indices = @transform_4, window_bounds = array<i64: 1, 1, 6016>}, {transform_indices = @transform_5, window_bounds = array<i64: 1, 1, 6016>}, {transform_indices = @transform_6, window_bounds = array<i64: 1, 1, 6016>}, {transform_indices = @transform_7, window_bounds = array<i64: 1, 1, 6016>}, {pipeline_mode = #tpu.pipeline_mode<synchronous>, transform_indices = @transform_8, window_bounds = array<i64: 1, 128>}, {transform_indices = @transform_9, window_bounds = array<i64: 1, 1, 6016>}, {transform_indices = @transform_10, window_bounds = array<i64: 1, 1, 6016>}, {transform_indices = @transform_11, window_bounds = array<i64: 1, 1, 6016>}, {transform_indices = @transform_12, window_bounds = array<i64: 1, 1, 6016>}, {transform_indices = @transform_13, window_bounds = array<i64: 1, 1, 6016>}]} {
    %get3A = arith.constant 0 : index
    %get3A_0 = arith.constant 0 : index
    %get3A_1 = vector.load %arg9[%get3A, %get3A_0] : memref<1x128xf32, #tpu.memory_space<vmem>>, vector<1x1xf32>
    %get3A_2 = arith.constant 0 : index
    %get3A_3 = arith.constant 0 : index
    %get3A_4 = arith.constant 0 : index
    %get3A_5 = vector.load %arg1[%get3A_2, %get3A_3, %get3A_4] : memref<1x1x6016xf32, #tpu.memory_space<vmem>>, vector<1x1x6016xf32>
    %get3A_6 = vector.shape_cast %get3A_5 : vector<1x1x6016xf32> to vector<1x6016xf32>
    %get3A_7 = arith.constant 0 : index
    %get3A_8 = arith.constant 0 : index
    %get3A_9 = arith.constant 0 : index
    %get3A_10 = vector.load %arg2[%get3A_7, %get3A_8, %get3A_9] : memref<1x1x6016xf32, #tpu.memory_space<vmem>>, vector<1x1x6016xf32>
    %get3A_11 = vector.shape_cast %get3A_10 : vector<1x1x6016xf32> to vector<1x6016xf32>
    %get3A_12 = arith.constant 0 : index
    %get3A_13 = arith.constant 0 : index
    %get3A_14 = arith.constant 0 : index
    %get3A_15 = vector.load %arg3[%get3A_12, %get3A_13, %get3A_14] : memref<1x1x6016xf32, #tpu.memory_space<vmem>>, vector<1x1x6016xf32>
    %get3A_16 = vector.shape_cast %get3A_15 : vector<1x1x6016xf32> to vector<1x6016xf32>
    %get3A_17 = arith.constant 0 : index
    %get3A_18 = arith.constant 0 : index
    %get3A_19 = arith.constant 0 : index
    %get3A_20 = vector.load %arg4[%get3A_17, %get3A_18, %get3A_19] : memref<1x1x6016xf32, #tpu.memory_space<vmem>>, vector<1x1x6016xf32>
    %get3A_21 = vector.shape_cast %get3A_20 : vector<1x1x6016xf32> to vector<1x6016xf32>
    %get3A_22 = arith.constant 0 : index
    %get3A_23 = arith.constant 0 : index
    %get3A_24 = arith.constant 0 : index
    %get3A_25 = vector.load %arg5[%get3A_22, %get3A_23, %get3A_24] : memref<1x1x6016xf32, #tpu.memory_space<vmem>>, vector<1x1x6016xf32>
    %get3A_26 = vector.shape_cast %get3A_25 : vector<1x1x6016xf32> to vector<1x6016xf32>
    %get3A_27 = arith.constant 0 : index
    %get3A_28 = arith.constant 0 : index
    %get3A_29 = arith.constant 0 : index
    %get3A_30 = vector.load %arg6[%get3A_27, %get3A_28, %get3A_29] : memref<1x1x6016xf32, #tpu.memory_space<vmem>>, vector<1x1x6016xf32>
    %get3A_31 = vector.shape_cast %get3A_30 : vector<1x1x6016xf32> to vector<1x6016xf32>
    %get3A_32 = arith.constant 0 : index
    %get3A_33 = arith.constant 0 : index
    %get3A_34 = arith.constant 0 : index
    %get3A_35 = vector.load %arg7[%get3A_32, %get3A_33, %get3A_34] : memref<1x1x6016xf32, #tpu.memory_space<vmem>>, vector<1x1x6016xf32>
    %get3A_36 = vector.shape_cast %get3A_35 : vector<1x1x6016xf32> to vector<1x6016xf32>
    %jit3A = arith.constant -4.13516665 : f32
    %jit3A_37 = arith.constant 4.13516665 : f32
    %max3A = vector.broadcast %jit3A : f32 to vector<1x6016xf32>
    %max3A_38 = arith.maximumf %max3A, %get3A_36 : vector<1x6016xf32>
    %min3A = vector.broadcast %jit3A_37 : f32 to vector<1x6016xf32>
    %min3A_39 = arith.minimumf %min3A, %max3A_38 : vector<1x6016xf32>
    %get3A_40 = arith.constant 0 : index
    %get3A_41 = arith.constant 0 : index
    %get3A_42 = arith.constant 0 : index
    %get3A_43 = vector.load %arg8[%get3A_40, %get3A_41, %get3A_42] : memref<1x1x6016xf32, #tpu.memory_space<vmem>>, vector<1x1x6016xf32>
    %get3A_44 = vector.shape_cast %get3A_43 : vector<1x1x6016xf32> to vector<1x6016xf32>
    %jit3A_45 = arith.constant -4.13516665 : f32
    %jit3A_46 = arith.constant 4.13516665 : f32
    %max3A_47 = vector.broadcast %jit3A_45 : f32 to vector<1x6016xf32>
    %max3A_48 = arith.maximumf %max3A_47, %get3A_44 : vector<1x6016xf32>
    %min3A_49 = vector.broadcast %jit3A_46 : f32 to vector<1x6016xf32>
    %min3A_50 = arith.minimumf %min3A_49, %max3A_48 : vector<1x6016xf32>
    %add3A = arith.addf %get3A_6, %get3A_16 : vector<1x6016xf32>
    %mul3A = arith.constant 5.000000e-01 : f32
    %mul3A_51 = vector.broadcast %mul3A : f32 to vector<1x6016xf32>
    %mul3A_52 = arith.mulf %add3A, %mul3A_51 : vector<1x6016xf32>
    %add3A_53 = arith.addf %get3A_11, %get3A_21 : vector<1x6016xf32>
    %mul3A_54 = arith.constant 5.000000e-01 : f32
    %mul3A_55 = vector.broadcast %mul3A_54 : f32 to vector<1x6016xf32>
    %mul3A_56 = arith.mulf %add3A_53, %mul3A_55 : vector<1x6016xf32>
    %sub3A = arith.subf %get3A_16, %get3A_6 : vector<1x6016xf32>
    %sub3A_57 = arith.subf %get3A_21, %get3A_11 : vector<1x6016xf32>
    %mul3A_58 = arith.mulf %sub3A, %get3A_26 : vector<1x6016xf32>
    %add3A_59 = arith.addf %mul3A_52, %mul3A_58 : vector<1x6016xf32>
    %mul3A_60 = arith.mulf %sub3A_57, %get3A_31 : vector<1x6016xf32>
    %add3A_61 = arith.addf %mul3A_56, %mul3A_60 : vector<1x6016xf32>
    %exp3A = math.exp %min3A_39 : vector<1x6016xf32>
    %mul3A_62 = arith.mulf %sub3A, %exp3A : vector<1x6016xf32>
    %exp3A_63 = math.exp %min3A_50 : vector<1x6016xf32>
    %mul3A_64 = arith.mulf %sub3A_57, %exp3A_63 : vector<1x6016xf32>
    %mul3A_65 = arith.constant 5.000000e-01 : f32
    %mul3A_66 = vector.broadcast %mul3A_65 : f32 to vector<1x6016xf32>
    %mul3A_67 = arith.mulf %mul3A_62, %mul3A_66 : vector<1x6016xf32>
    %sub3A_68 = arith.subf %add3A_59, %mul3A_67 : vector<1x6016xf32>
    %max3A_69 = arith.constant 0.000000e+00 : f32
    %max3A_70 = vector.broadcast %max3A_69 : f32 to vector<1x6016xf32>
    %max3A_71 = arith.maximumf %sub3A_68, %max3A_70 : vector<1x6016xf32>
    %min3A_72 = vector.broadcast %get3A_1 : vector<1x1xf32> to vector<1x6016xf32>
    %min3A_73 = arith.minimumf %max3A_71, %min3A_72 : vector<1x6016xf32>
    %mul3A_74 = arith.constant 5.000000e-01 : f32
    %mul3A_75 = vector.broadcast %mul3A_74 : f32 to vector<1x6016xf32>
    %mul3A_76 = arith.mulf %mul3A_64, %mul3A_75 : vector<1x6016xf32>
    %sub3A_77 = arith.subf %add3A_61, %mul3A_76 : vector<1x6016xf32>
    %max3A_78 = arith.constant 0.000000e+00 : f32
    %max3A_79 = vector.broadcast %max3A_78 : f32 to vector<1x6016xf32>
    %max3A_80 = arith.maximumf %sub3A_77, %max3A_79 : vector<1x6016xf32>
    %min3A_81 = vector.broadcast %get3A_1 : vector<1x1xf32> to vector<1x6016xf32>
    %min3A_82 = arith.minimumf %max3A_80, %min3A_81 : vector<1x6016xf32>
    %mul3A_83 = arith.constant 5.000000e-01 : f32
    %mul3A_84 = vector.broadcast %mul3A_83 : f32 to vector<1x6016xf32>
    %mul3A_85 = arith.mulf %mul3A_62, %mul3A_84 : vector<1x6016xf32>
    %add3A_86 = arith.addf %add3A_59, %mul3A_85 : vector<1x6016xf32>
    %max3A_87 = arith.constant 0.000000e+00 : f32
    %max3A_88 = vector.broadcast %max3A_87 : f32 to vector<1x6016xf32>
    %max3A_89 = arith.maximumf %add3A_86, %max3A_88 : vector<1x6016xf32>
    %min3A_90 = vector.broadcast %get3A_1 : vector<1x1xf32> to vector<1x6016xf32>
    %min3A_91 = arith.minimumf %max3A_89, %min3A_90 : vector<1x6016xf32>
    %mul3A_92 = arith.constant 5.000000e-01 : f32
    %mul3A_93 = vector.broadcast %mul3A_92 : f32 to vector<1x6016xf32>
    %mul3A_94 = arith.mulf %mul3A_64, %mul3A_93 : vector<1x6016xf32>
    %add3A_95 = arith.addf %add3A_61, %mul3A_94 : vector<1x6016xf32>
    %max3A_96 = arith.constant 0.000000e+00 : f32
    %max3A_97 = vector.broadcast %max3A_96 : f32 to vector<1x6016xf32>
    %max3A_98 = arith.maximumf %add3A_95, %max3A_97 : vector<1x6016xf32>
    %min3A_99 = vector.broadcast %get3A_1 : vector<1x1xf32> to vector<1x6016xf32>
    %min3A_100 = arith.minimumf %max3A_98, %min3A_99 : vector<1x6016xf32>
    %swap3A = arith.constant 0 : index
    %swap3A_101 = arith.constant 0 : index
    %swap3A_102 = arith.constant 0 : index
    %swap3A_103 = vector.load %arg10[%swap3A, %swap3A_101, %swap3A_102] : memref<1x1x6016xf32, #tpu.memory_space<vmem>>, vector<1x1x6016xf32>
    %swap3A_104 = vector.shape_cast %swap3A_103 : vector<1x1x6016xf32> to vector<1x6016xf32>
    %swap3A_105 = vector.shape_cast %min3A_73 : vector<1x6016xf32> to vector<1x1x6016xf32>
    tpu.vector_store %arg10[%swap3A, %swap3A_101, %swap3A_102], %swap3A_105 {strides = array<i32>} : memref<1x1x6016xf32, #tpu.memory_space<vmem>>, vector<1x1x6016xf32>,
    %swap3A_106 = arith.constant 0 : index
    %swap3A_107 = arith.constant 0 : index
    %swap3A_108 = arith.constant 0 : index
    %swap3A_109 = vector.load %arg11[%swap3A_106, %swap3A_107, %swap3A_108] : memref<1x1x6016xf32, #tpu.memory_space<vmem>>, vector<1x1x6016xf32>
    %swap3A_110 = vector.shape_cast %swap3A_109 : vector<1x1x6016xf32> to vector<1x6016xf32>
    %swap3A_111 = vector.shape_cast %min3A_82 : vector<1x6016xf32> to vector<1x1x6016xf32>
    tpu.vector_store %arg11[%swap3A_106, %swap3A_107, %swap3A_108], %swap3A_111 {strides = array<i32>} : memref<1x1x6016xf32, #tpu.memory_space<vmem>>, vector<1x1x6016xf32>,
    %swap3A_112 = arith.constant 0 : index
    %swap3A_113 = arith.constant 0 : index
    %swap3A_114 = arith.constant 0 : index
    %swap3A_115 = vector.load %arg12[%swap3A_112, %swap3A_113, %swap3A_114] : memref<1x1x6016xf32, #tpu.memory_space<vmem>>, vector<1x1x6016xf32>
    %swap3A_116 = vector.shape_cast %swap3A_115 : vector<1x1x6016xf32> to vector<1x6016xf32>
    %swap3A_117 = vector.shape_cast %min3A_91 : vector<1x6016xf32> to vector<1x1x6016xf32>
    tpu.vector_store %arg12[%swap3A_112, %swap3A_113, %swap3A_114], %swap3A_117 {strides = array<i32>} : memref<1x1x6016xf32, #tpu.memory_space<vmem>>, vector<1x1x6016xf32>,
    %swap3A_118 = arith.constant 0 : index
    %swap3A_119 = arith.constant 0 : index
    %swap3A_120 = arith.constant 0 : index
    %swap3A_121 = vector.load %arg13[%swap3A_118, %swap3A_119, %swap3A_120] : memref<1x1x6016xf32, #tpu.memory_space<vmem>>, vector<1x1x6016xf32>
    %swap3A_122 = vector.shape_cast %swap3A_121 : vector<1x1x6016xf32> to vector<1x6016xf32>
    %swap3A_123 = vector.shape_cast %min3A_100 : vector<1x6016xf32> to vector<1x1x6016xf32>
    tpu.vector_store %arg13[%swap3A_118, %swap3A_119, %swap3A_120], %swap3A_123 {strides = array<i32>} : memref<1x1x6016xf32, #tpu.memory_space<vmem>>, vector<1x1x6016xf32>,
    %gt3A = arith.cmpf ogt, %min3A_91, %min3A_73 : vector<1x6016xf32>
    %gt3A_124 = arith.cmpf ogt, %min3A_100, %min3A_82 : vector<1x6016xf32>
    %and3A = arith.andi %gt3A, %gt3A_124 : vector<1x6016xi1>
    %convert_element_type3A = arith.extui %and3A : vector<1x6016xi1> to vector<1x6016xi32>
    %convert_element_type3A_125 = arith.sitofp %convert_element_type3A : vector<1x6016xi32> to vector<1x6016xf32>
    %swap3A_126 = arith.constant 0 : index
    %swap3A_127 = arith.constant 0 : index
    %swap3A_128 = vector.load %arg15[%swap3A_126, %swap3A_127] : memref<1x6016xf32, #tpu.memory_space<vmem>>, vector<1x6016xf32>
    tpu.vector_store %arg15[%swap3A_126, %swap3A_127], %convert_element_type3A_125 {strides = array<i32>} : memref<1x6016xf32, #tpu.memory_space<vmem>>, vector<1x6016xf32>,
    %sub3A_129 = arith.subf %min3A_91, %min3A_73 : vector<1x6016xf32>
    %sub3A_130 = arith.subf %min3A_100, %min3A_82 : vector<1x6016xf32>
    %mul3A_131 = arith.mulf %sub3A_129, %sub3A_130 : vector<1x6016xf32>
    %iota3A = tpu.iota {dimensions = array<i32: 1>} : vector<1x6016xi32>
    %iota3A_132 = tpu.iota {dimensions = array<i32: 0>} : vector<128x128xi32>
    %iota3A_133 = tpu.iota {dimensions = array<i32: 1>} : vector<128x128xi32>
    %lt3A = arith.cmpi slt, %iota3A_132, %iota3A_133 : vector<128x128xi32>
    %scan3A = arith.constant 0 : i32
    %scan3A_134 = arith.constant 47 : i32
    %scan3A_135 = arith.addi %scan3A, %scan3A_134 : i32
    %scan3A_136 = arith.constant 1 : i32
    scf.for %scan3A_138 = %scan3A to %scan3A_135 step %scan3A_136  : i32 {
      %mul3A_139 = arith.constant 128 : i32
      %mul3A_140 = arith.muli %scan3A_138, %mul3A_139 : i32
      %get3A_141 = arith.constant 0 : index
      %get3A_142 = arith.constant 0 : index
      %get3A_143 = arith.index_cast %mul3A_140 : i32 to index
      %get3A_144 = vector.load %arg10[%get3A_141, %get3A_142, %get3A_143] : memref<1x1x6016xf32, #tpu.memory_space<vmem>>, vector<1x1x128xf32>
      %get3A_145 = vector.shape_cast %get3A_144 : vector<1x1x128xf32> to vector<1x128xf32>
      %get3A_146 = arith.constant 0 : index
      %get3A_147 = arith.constant 0 : index
      %get3A_148 = arith.index_cast %mul3A_140 : i32 to index
      %get3A_149 = vector.load %arg11[%get3A_146, %get3A_147, %get3A_148] : memref<1x1x6016xf32, #tpu.memory_space<vmem>>, vector<1x1x128xf32>
      %get3A_150 = vector.shape_cast %get3A_149 : vector<1x1x128xf32> to vector<1x128xf32>
      %get3A_151 = arith.constant 0 : index
      %get3A_152 = arith.constant 0 : index
      %get3A_153 = arith.index_cast %mul3A_140 : i32 to index
      %get3A_154 = vector.load %arg12[%get3A_151, %get3A_152, %get3A_153] : memref<1x1x6016xf32, #tpu.memory_space<vmem>>, vector<1x1x128xf32>
      %get3A_155 = vector.shape_cast %get3A_154 : vector<1x1x128xf32> to vector<1x128xf32>
      %get3A_156 = arith.constant 0 : index
      %get3A_157 = arith.constant 0 : index
      %get3A_158 = arith.index_cast %mul3A_140 : i32 to index
      %get3A_159 = vector.load %arg13[%get3A_156, %get3A_157, %get3A_158] : memref<1x1x6016xf32, #tpu.memory_space<vmem>>, vector<1x1x128xf32>
      %get3A_160 = vector.shape_cast %get3A_159 : vector<1x1x128xf32> to vector<1x128xf32>
      %transpose3A = tpu.transpose %get3A_145, [1, 0] : vector<1x128xf32> -> vector<128x1xf32>
      %transpose3A_161 = tpu.transpose %get3A_150, [1, 0] : vector<1x128xf32> -> vector<128x1xf32>
      %transpose3A_162 = tpu.transpose %get3A_155, [1, 0] : vector<1x128xf32> -> vector<128x1xf32>
      %transpose3A_163 = tpu.transpose %get3A_160, [1, 0] : vector<1x128xf32> -> vector<128x1xf32>
      %sub3A_164 = arith.subf %get3A_155, %get3A_145 : vector<1x128xf32>
      %sub3A_165 = arith.subf %get3A_160, %get3A_150 : vector<1x128xf32>
      %mul3A_166 = arith.mulf %sub3A_164, %sub3A_165 : vector<1x128xf32>
      %transpose3A_167 = tpu.transpose %mul3A_166, [1, 0] : vector<1x128xf32> -> vector<128x1xf32>
      %get3A_168 = arith.constant 0 : index
      %get3A_169 = arith.index_cast %mul3A_140 : i32 to index
      %get3A_170 = vector.load %arg15[%get3A_168, %get3A_169] : memref<1x6016xf32, #tpu.memory_space<vmem>>, vector<1x128xf32>
      %gt3A_171 = arith.constant 0.000000e+00 : f32
      %gt3A_172 = vector.broadcast %gt3A_171 : f32 to vector<1x128xf32>
      %gt3A_173 = arith.cmpf ogt, %get3A_170, %gt3A_172 : vector<1x128xf32>
      %max3A_174 = vector.broadcast %transpose3A : vector<128x1xf32> to vector<128x128xf32>
      %max3A_175 = vector.broadcast %get3A_145 : vector<1x128xf32> to vector<128x128xf32>
      %max3A_176 = arith.maximumf %max3A_174, %max3A_175 : vector<128x128xf32>
      %max3A_177 = vector.broadcast %transpose3A_161 : vector<128x1xf32> to vector<128x128xf32>
      %max3A_178 = vector.broadcast %get3A_150 : vector<1x128xf32> to vector<128x128xf32>
      %max3A_179 = arith.maximumf %max3A_177, %max3A_178 : vector<128x128xf32>
      %min3A_180 = vector.broadcast %transpose3A_162 : vector<128x1xf32> to vector<128x128xf32>
      %min3A_181 = vector.broadcast %get3A_155 : vector<1x128xf32> to vector<128x128xf32>
      %min3A_182 = arith.minimumf %min3A_180, %min3A_181 : vector<128x128xf32>
      %min3A_183 = vector.broadcast %transpose3A_163 : vector<128x1xf32> to vector<128x128xf32>
      %min3A_184 = vector.broadcast %get3A_160 : vector<1x128xf32> to vector<128x128xf32>
      %min3A_185 = arith.minimumf %min3A_183, %min3A_184 : vector<128x128xf32>
      %sub3A_186 = arith.subf %min3A_182, %max3A_176 : vector<128x128xf32>
      %max3A_187 = arith.constant 0.000000e+00 : f32
      %max3A_188 = vector.broadcast %max3A_187 : f32 to vector<128x128xf32>
      %max3A_189 = arith.maximumf %sub3A_186, %max3A_188 : vector<128x128xf32>
      %sub3A_190 = arith.subf %min3A_185, %max3A_179 : vector<128x128xf32>
      %max3A_191 = arith.constant 0.000000e+00 : f32
      %max3A_192 = vector.broadcast %max3A_191 : f32 to vector<128x128xf32>
      %max3A_193 = arith.maximumf %sub3A_190, %max3A_192 : vector<128x128xf32>
      %mul3A_194 = arith.mulf %max3A_189, %max3A_193 : vector<128x128xf32>
      %add3A_195 = vector.broadcast %transpose3A_167 : vector<128x1xf32> to vector<128x128xf32>
      %add3A_196 = vector.broadcast %mul3A_166 : vector<1x128xf32> to vector<128x128xf32>
      %add3A_197 = arith.addf %add3A_195, %add3A_196 : vector<128x128xf32>
      %sub3A_198 = arith.subf %add3A_197, %mul3A_194 : vector<128x128xf32>
      %add3A_199 = arith.constant 9.99999971E-10 : f32
      %add3A_200 = vector.broadcast %add3A_199 : f32 to vector<128x128xf32>
      %add3A_201 = arith.addf %sub3A_198, %add3A_200 : vector<128x128xf32>
      %div3A = arith.divf %mul3A_194, %add3A_201 : vector<128x128xf32>
      %gt3A_202 = arith.constant 0.699999988 : f32
      %gt3A_203 = vector.broadcast %gt3A_202 : f32 to vector<128x128xf32>
      %gt3A_204 = arith.cmpf ogt, %div3A, %gt3A_203 : vector<128x128xf32>
      %and3A_205 = arith.andi %gt3A_204, %lt3A : vector<128x128xi1>
      %convert_element_type3A_206 = arith.extui %gt3A_173 : vector<1x128xi1> to vector<1x128xi32>
      %convert_element_type3A_207 = arith.sitofp %convert_element_type3A_206 : vector<1x128xi32> to vector<1x128xf32>
      %while3A = arith.constant 0 : i32
      %while3A_208 = arith.constant 1 : i32
      %while3A_209:3 = scf.while (%while3A_275 = %while3A, %while3A_276 = %convert_element_type3A_207, %while3A_277 = %while3A_208) : (i32, vector<1x128xf32>, i32) -> (i32, vector<1x128xf32>, i32) {
        %gt3A_278 = arith.constant 0 : i32
        %gt3A_279 = arith.cmpi sgt, %while3A_277, %gt3A_278 : i32
        %lt3A_280 = arith.constant 128 : i32
        %lt3A_281 = arith.cmpi slt, %while3A_275, %lt3A_280 : i32
        %and3A_282 = arith.andi %gt3A_279, %lt3A_281 : i1
        scf.condition(%and3A_282) %while3A_275, %while3A_276, %while3A_277 : i32, vector<1x128xf32>, i32
      } do {
      ^bb0(%while3A_275: i32, %while3A_276: vector<1x128xf32>, %while3A_277: i32):
        %transpose3A_278 = tpu.transpose %while3A_276, [1, 0] : vector<1x128xf32> -> vector<128x1xf32>
        %gt3A_279 = arith.constant 0.000000e+00 : f32
        %gt3A_280 = vector.broadcast %gt3A_279 : f32 to vector<128x1xf32>
        %gt3A_281 = arith.cmpf ogt, %transpose3A_278, %gt3A_280 : vector<128x1xf32>
        %and3A_282 = vector.broadcast %gt3A_281 : vector<128x1xi1> to vector<128x128xi1>
        %and3A_283 = arith.andi %and3A_205, %and3A_282 : vector<128x128xi1>
        %reduce_or3A_284 = arith.constant 1.000000e+00 : f32
        %reduce_or3A_285 = arith.constant 0.000000e+00 : f32
        %reduce_or3A_286 = vector.broadcast %reduce_or3A_284 : f32 to vector<128x128xf32>
        %reduce_or3A_287 = vector.broadcast %reduce_or3A_285 : f32 to vector<128x128xf32>
        %reduce_or3A_288 = arith.select %and3A_283, %reduce_or3A_286, %reduce_or3A_287 : vector<128x128xi1>, vector<128x128xf32>
        %reduce_or3A_289 = arith.constant dense<0xFF800000> : vector<128xf32>
        %reduce_or3A_290 = vector.multi_reduction <maximumf>, %reduce_or3A_288, %reduce_or3A_289 [0] : vector<128x128xf32> to vector<128xf32>
        %reduce_or3A_291 = arith.constant 0.000000e+00 : f32
        %reduce_or3A_292 = vector.broadcast %reduce_or3A_291 : f32 to vector<128xf32>
        %reduce_or3A_293 = arith.cmpf ogt, %reduce_or3A_290, %reduce_or3A_292 : vector<128xf32>
        %broadcast_in_dim3A_294 = vector.shape_cast %reduce_or3A_293 : vector<128xi1> to vector<1x128xi1>
        %not3A = arith.constant dense<true> : vector<1x128xi1>
        %not3A_295 = arith.xori %broadcast_in_dim3A_294, %not3A : vector<1x128xi1>
        %and3A_296 = arith.andi %gt3A_173, %not3A_295 : vector<1x128xi1>
        %convert_element_type3A_297 = arith.extui %and3A_296 : vector<1x128xi1> to vector<1x128xi32>
        %convert_element_type3A_298 = arith.sitofp %convert_element_type3A_297 : vector<1x128xi32> to vector<1x128xf32>
        %ne3A = arith.cmpf one, %convert_element_type3A_298, %while3A_276 : vector<1x128xf32>
        %reduce_or3A_299 = arith.constant 1.000000e+00 : f32
        %reduce_or3A_300 = arith.constant 0.000000e+00 : f32
        %reduce_or3A_301 = vector.broadcast %reduce_or3A_299 : f32 to vector<1x128xf32>
        %reduce_or3A_302 = vector.broadcast %reduce_or3A_300 : f32 to vector<1x128xf32>
        %reduce_or3A_303 = arith.select %ne3A, %reduce_or3A_301, %reduce_or3A_302 : vector<1x128xi1>, vector<1x128xf32>
        %reduce_or3A_304 = vector.shape_cast %reduce_or3A_303 : vector<1x128xf32> to vector<1x1x128xf32>
        %reduce_or3A_305 = arith.constant dense<0xFF800000> : vector<1xf32>
        %reduce_or3A_306 = vector.multi_reduction <maximumf>, %reduce_or3A_304, %reduce_or3A_305 [1, 2] : vector<1x1x128xf32> to vector<1xf32>
        %reduce_or3A_307 = vector.shape_cast %reduce_or3A_306 : vector<1xf32> to vector<1x1x1xf32>
        %reduce_or3A_308 = vector.extract %reduce_or3A_307[0, 0, 0] : f32 from vector<1x1x1xf32>
        %reduce_or3A_309 = arith.constant 0.000000e+00 : f32
        %reduce_or3A_310 = arith.cmpf ogt, %reduce_or3A_308, %reduce_or3A_309 : f32
        %add3A_311 = arith.constant 1 : i32
        %add3A_312 = arith.addi %while3A_275, %add3A_311 : i32
        %jit3A_313 = arith.constant 1 : i32
        %jit3A_314 = arith.constant 0 : i32
        %select_n3A_315 = arith.select %reduce_or3A_310, %jit3A_313, %jit3A_314 : i32
        scf.yield %add3A_312, %convert_element_type3A_298, %select_n3A_315 : i32, vector<1x128xf32>, i32
      }
      %gt3A_210 = arith.constant 0.000000e+00 : f32
      %gt3A_211 = vector.broadcast %gt3A_210 : f32 to vector<1x128xf32>
      %gt3A_212 = arith.cmpf ogt, %while3A_209#1, %gt3A_211 : vector<1x128xf32>
      %swap3A_213 = arith.constant 0 : index
      %swap3A_214 = arith.constant 0 : index
      %swap3A_215 = arith.index_cast %mul3A_140 : i32 to index
      %swap3A_216 = vector.load %arg14[%swap3A_213, %swap3A_214, %swap3A_215] : memref<1x1x6016xf32, #tpu.memory_space<vmem>>, vector<1x1x128xf32>
      %swap3A_217 = vector.shape_cast %swap3A_216 : vector<1x1x128xf32> to vector<1x128xf32>
      %swap3A_218 = vector.shape_cast %while3A_209#1 : vector<1x128xf32> to vector<1x1x128xf32>
      tpu.vector_store %arg14[%swap3A_213, %swap3A_214, %swap3A_215], %swap3A_218 {strides = array<i32>} : memref<1x1x6016xf32, #tpu.memory_space<vmem>>, vector<1x1x128xf32>,
      %max3A_219 = vector.broadcast %transpose3A : vector<128x1xf32> to vector<128x6016xf32>
      %max3A_220 = vector.broadcast %min3A_73 : vector<1x6016xf32> to vector<128x6016xf32>
      %max3A_221 = arith.maximumf %max3A_219, %max3A_220 : vector<128x6016xf32>
      %max3A_222 = vector.broadcast %transpose3A_161 : vector<128x1xf32> to vector<128x6016xf32>
      %max3A_223 = vector.broadcast %min3A_82 : vector<1x6016xf32> to vector<128x6016xf32>
      %max3A_224 = arith.maximumf %max3A_222, %max3A_223 : vector<128x6016xf32>
      %min3A_225 = vector.broadcast %transpose3A_162 : vector<128x1xf32> to vector<128x6016xf32>
      %min3A_226 = vector.broadcast %min3A_91 : vector<1x6016xf32> to vector<128x6016xf32>
      %min3A_227 = arith.minimumf %min3A_225, %min3A_226 : vector<128x6016xf32>
      %min3A_228 = vector.broadcast %transpose3A_163 : vector<128x1xf32> to vector<128x6016xf32>
      %min3A_229 = vector.broadcast %min3A_100 : vector<1x6016xf32> to vector<128x6016xf32>
      %min3A_230 = arith.minimumf %min3A_228, %min3A_229 : vector<128x6016xf32>
      %sub3A_231 = arith.subf %min3A_227, %max3A_221 : vector<128x6016xf32>
      %max3A_232 = arith.constant 0.000000e+00 : f32
      %max3A_233 = vector.broadcast %max3A_232 : f32 to vector<128x6016xf32>
      %max3A_234 = arith.maximumf %sub3A_231, %max3A_233 : vector<128x6016xf32>
      %sub3A_235 = arith.subf %min3A_230, %max3A_224 : vector<128x6016xf32>
      %max3A_236 = arith.constant 0.000000e+00 : f32
      %max3A_237 = vector.broadcast %max3A_236 : f32 to vector<128x6016xf32>
      %max3A_238 = arith.maximumf %sub3A_235, %max3A_237 : vector<128x6016xf32>
      %mul3A_239 = arith.mulf %max3A_234, %max3A_238 : vector<128x6016xf32>
      %add3A_240 = vector.broadcast %transpose3A_167 : vector<128x1xf32> to vector<128x6016xf32>
      %add3A_241 = vector.broadcast %mul3A_131 : vector<1x6016xf32> to vector<128x6016xf32>
      %add3A_242 = arith.addf %add3A_240, %add3A_241 : vector<128x6016xf32>
      %sub3A_243 = arith.subf %add3A_242, %mul3A_239 : vector<128x6016xf32>
      %add3A_244 = arith.constant 9.99999971E-10 : f32
      %add3A_245 = vector.broadcast %add3A_244 : f32 to vector<128x6016xf32>
      %add3A_246 = arith.addf %sub3A_243, %add3A_245 : vector<128x6016xf32>
      %div3A_247 = arith.divf %mul3A_239, %add3A_246 : vector<128x6016xf32>
      %transpose3A_248 = tpu.transpose %gt3A_212, [1, 0] : vector<1x128xi1> -> vector<128x1xi1>
      %gt3A_249 = arith.constant 0.699999988 : f32
      %gt3A_250 = vector.broadcast %gt3A_249 : f32 to vector<128x6016xf32>
      %gt3A_251 = arith.cmpf ogt, %div3A_247, %gt3A_250 : vector<128x6016xf32>
      %and3A_252 = vector.broadcast %transpose3A_248 : vector<128x1xi1> to vector<128x6016xi1>
      %and3A_253 = arith.andi %gt3A_251, %and3A_252 : vector<128x6016xi1>
      %reduce_or3A = arith.constant 1.000000e+00 : f32
      %reduce_or3A_254 = arith.constant 0.000000e+00 : f32
      %reduce_or3A_255 = vector.broadcast %reduce_or3A : f32 to vector<128x6016xf32>
      %reduce_or3A_256 = vector.broadcast %reduce_or3A_254 : f32 to vector<128x6016xf32>
      %reduce_or3A_257 = arith.select %and3A_253, %reduce_or3A_255, %reduce_or3A_256 : vector<128x6016xi1>, vector<128x6016xf32>
      %reduce_or3A_258 = arith.constant dense<0xFF800000> : vector<6016xf32>
      %reduce_or3A_259 = vector.multi_reduction <maximumf>, %reduce_or3A_257, %reduce_or3A_258 [0] : vector<128x6016xf32> to vector<6016xf32>
      %reduce_or3A_260 = arith.constant 0.000000e+00 : f32
      %reduce_or3A_261 = vector.broadcast %reduce_or3A_260 : f32 to vector<6016xf32>
      %reduce_or3A_262 = arith.cmpf ogt, %reduce_or3A_259, %reduce_or3A_261 : vector<6016xf32>
      %broadcast_in_dim3A = vector.shape_cast %reduce_or3A_262 : vector<6016xi1> to vector<1x6016xi1>
      %add3A_263 = arith.constant 128 : i32
      %add3A_264 = arith.addi %mul3A_140, %add3A_263 : i32
      %ge3A = vector.broadcast %add3A_264 : i32 to vector<1x6016xi32>
      %ge3A_265 = arith.cmpi sge, %iota3A, %ge3A : vector<1x6016xi32>
      %and3A_266 = arith.andi %broadcast_in_dim3A, %ge3A_265 : vector<1x6016xi1>
      %get3A_267 = arith.constant 0 : index
      %get3A_268 = arith.constant 0 : index
      %get3A_269 = vector.load %arg15[%get3A_267, %get3A_268] : memref<1x6016xf32, #tpu.memory_space<vmem>>, vector<1x6016xf32>
      %jit3A_270 = arith.constant 0.000000e+00 : f32
      %broadcast_in_dim3A_271 = vector.broadcast %jit3A_270 : f32 to vector<1x6016xf32>
      %select_n3A = arith.select %and3A_266, %broadcast_in_dim3A_271, %get3A_269 : vector<1x6016xi1>, vector<1x6016xf32>
      %swap3A_272 = arith.constant 0 : index
      %swap3A_273 = arith.constant 0 : index
      %swap3A_274 = vector.load %arg15[%swap3A_272, %swap3A_273] : memref<1x6016xf32, #tpu.memory_space<vmem>>, vector<1x6016xf32>
      tpu.vector_store %arg15[%swap3A_272, %swap3A_273], %select_n3A {strides = array<i32>} : memref<1x6016xf32, #tpu.memory_space<vmem>>, vector<1x6016xf32>,
    }
    %scan3A_137 = arith.constant 47 : i32
    return
  }
  func.func @transform_0(%arg0: i32) -> (i32, i32, i32) {
    %c0_i32 = arith.constant 0 : i32
    %c0_i32_0 = arith.constant 0 : i32
    %c0_i32_1 = arith.constant 0 : i32
    return %arg0, %c0_i32, %c0_i32_0 : i32, i32, i32
  }
  func.func @transform_1(%arg0: i32) -> (i32, i32, i32) {
    %c0_i32 = arith.constant 0 : i32
    %c0_i32_0 = arith.constant 0 : i32
    %c0_i32_1 = arith.constant 0 : i32
    return %arg0, %c0_i32, %c0_i32_0 : i32, i32, i32
  }
  func.func @transform_2(%arg0: i32) -> (i32, i32, i32) {
    %c0_i32 = arith.constant 0 : i32
    %c0_i32_0 = arith.constant 0 : i32
    %c0_i32_1 = arith.constant 0 : i32
    return %arg0, %c0_i32, %c0_i32_0 : i32, i32, i32
  }
  func.func @transform_3(%arg0: i32) -> (i32, i32, i32) {
    %c0_i32 = arith.constant 0 : i32
    %c0_i32_0 = arith.constant 0 : i32
    %c0_i32_1 = arith.constant 0 : i32
    return %arg0, %c0_i32, %c0_i32_0 : i32, i32, i32
  }
  func.func @transform_4(%arg0: i32) -> (i32, i32, i32) {
    %c0_i32 = arith.constant 0 : i32
    %c0_i32_0 = arith.constant 0 : i32
    %c0_i32_1 = arith.constant 0 : i32
    return %arg0, %c0_i32, %c0_i32_0 : i32, i32, i32
  }
  func.func @transform_5(%arg0: i32) -> (i32, i32, i32) {
    %c0_i32 = arith.constant 0 : i32
    %c0_i32_0 = arith.constant 0 : i32
    %c0_i32_1 = arith.constant 0 : i32
    return %arg0, %c0_i32, %c0_i32_0 : i32, i32, i32
  }
  func.func @transform_6(%arg0: i32) -> (i32, i32, i32) {
    %c0_i32 = arith.constant 0 : i32
    %c0_i32_0 = arith.constant 0 : i32
    %c0_i32_1 = arith.constant 0 : i32
    return %arg0, %c0_i32, %c0_i32_0 : i32, i32, i32
  }
  func.func @transform_7(%arg0: i32) -> (i32, i32, i32) {
    %c0_i32 = arith.constant 0 : i32
    %c0_i32_0 = arith.constant 0 : i32
    %c0_i32_1 = arith.constant 0 : i32
    return %arg0, %c0_i32, %c0_i32_0 : i32, i32, i32
  }
  func.func @transform_8(%arg0: i32) -> (i32, i32) {
    %c0_i32 = arith.constant 0 : i32
    %c0_i32_0 = arith.constant 0 : i32
    %c0_i32_1 = arith.constant 0 : i32
    return %c0_i32, %c0_i32_0 : i32, i32
  }
  func.func @transform_9(%arg0: i32) -> (i32, i32, i32) {
    %c0_i32 = arith.constant 0 : i32
    %c0_i32_0 = arith.constant 0 : i32
    %c0_i32_1 = arith.constant 0 : i32
    return %arg0, %c0_i32, %c0_i32_0 : i32, i32, i32
  }
  func.func @transform_10(%arg0: i32) -> (i32, i32, i32) {
    %c0_i32 = arith.constant 0 : i32
    %c0_i32_0 = arith.constant 0 : i32
    %c0_i32_1 = arith.constant 0 : i32
    return %arg0, %c0_i32, %c0_i32_0 : i32, i32, i32
  }
  func.func @transform_11(%arg0: i32) -> (i32, i32, i32) {
    %c0_i32 = arith.constant 0 : i32
    %c0_i32_0 = arith.constant 0 : i32
    %c0_i32_1 = arith.constant 0 : i32
    return %arg0, %c0_i32, %c0_i32_0 : i32, i32, i32
  }
  func.func @transform_12(%arg0: i32) -> (i32, i32, i32) {
    %c0_i32 = arith.constant 0 : i32
    %c0_i32_0 = arith.constant 0 : i32
    %c0_i32_1 = arith.constant 0 : i32
    return %arg0, %c0_i32, %c0_i32_0 : i32, i32, i32
  }
  func.func @transform_13(%arg0: i32) -> (i32, i32, i32) {
    %c0_i32 = arith.constant 0 : i32
    %c0_i32_0 = arith.constant 0 : i32
    %c0_i32_1 = arith.constant 0 : i32
    return %arg0, %c0_i32, %c0_i32_0 : i32, i32, i32
  }
}

</mosaic_0001>

<sc_bundles>
// kernel: gather_offload_async_start.1
scs
__scs_entry_jumppad:
0x0: {  	(pc) =	sbr.rel $0x88, $3  }
0x1: {  	(tag) =	ssettag $0x0;
	lr =	simm.s32 $0x1  }
0x2: {  	[smem:$0x3F9A] =	sst lr;
	_ =	strace $0xD0000000  }
0x3: {  	_ = 	snop  }
0x4: {  	_ = 	snop  }
0x5: {  	_ = 	snop  }
0x6: {  	_ = 	snop  }
0x7: {  	_ = 	snop  }
__scs_overlays_trampoline_lowered:
0x8: {  	[smem:$0x3FA9] =	sst s0  }
0x9: {  	[smem:$0x3FAA] =	sst s1  }
0xa: {  	[smem:$0x3FAB] =	sst s2  }
0xb: {  	[smem:$0x3FAC] =	sst s3  }
0xc: {  	[smem:$0x3FAD] =	sst s4  }
0xd: {  	[smem:$0x3FAE] =	sst s5  }
0xe: {  	[smem:$0x3FAF] =	sst s6  }
0xf: {  	[smem:$0x3FB0] =	sst s7  }
0x10: {  	[smem:$0x3FB1] =	sst s8  }
0x11: {  	[smem:$0x3FB2] =	sst s9;
	s0 =	simm.s32 @!p0 $0x0  }
0x12: {  	s1 =	sld [smem:$0x3F98];
	s0 =	simm.s32 @p0 $0x1  }
0x13: {  	[smem:$0x3FB3] =	sst s0;
	s0 =	simm.s32 @!p1 $0x0  }
0x14: {  	s2 =	sld [smem:$0x3F97];
	s0 =	simm.s32 @p1 $0x1  }
0x15: {  	[smem:$0x3FB4] =	sst s0;
	s0 =	simm.s32 @!p2 $0x0  }
0x16: {  	s3 =	sld [smem:$0x3FDB];
	s0 =	simm.s32 @p2 $0x1  }
0x17: {  	s4 =	simm.s32 $0x1BF5;
	[smem:$0x3FB6] =	sst s0  }
0x18: {  	s0 =	sld [smem:$0x3F99];
	_ =	swait.ge [sflag:s4], $0x0  }
0x19: {  	s7 =	sld [smem:$0x3F9A]  }
0x1a: {  	s8 =	sadd.s32 $0xFFFFE003, lr  }
0x1b: {  	s9 =	sadd.s32 $0xFFFFFEF7, lr;
	s5 =	simm.s32 $0xFFFFFFFF;
	p2 =	slt.u32 s8, $0xFFFFF086  }
0x1c: {  	p1 =	slt.u32 s9, $0xF7A;
	s5 =	simm.s32 @!p2 $0x0  }
0x1d: {  	s5 =	simm.s32 @p1 $0x1;
	p0 =	seq.s32 s7, s2  }
0x1e: {  	s7 =	smul.u32 @!p0 $0xF7A, s2;
	p2 =	seq.s32 @!p0 s5, $0x0  }
0x1f: {  	s9 =	smul.u32 $0xF7A, s1;
	s8 =	simm.s32 @!p0 $0x1BF5;
	p2 =	por !p2, p0  }
0x20: {  	[sflag:s8] =	ssyncset.s32 @!p0 $0xFFFFF086;
	s6 =	sadd.s32 @!p0 s3, s7;
	s7 =	simm.s32 @!p0 $0x108  }
0x21: {  	s3 =	sadd.s32 s3, s9;
	s6 =	sadd.s32 @!p0 $0x88, s6;
	s7 =	simm.s32 @p2 $0x1082  }
0x22: {  	[simem:s7], [sflag:s8] =	dma.local @!p0 [hbm:s6], $0xF7A  }
0x23: {  	s9 =	sor.u32 $0xD0000000, s2;
	s6 =	simm.s32 $0x108;
	_ =	swait.ge @!p0 [sflag:s8], $0x0  }
0x24: {  	s3 =	sadd.s32 $0x88, s3;
	s6 =	simm.s32 @!p1 $0x1082;
	[sflag:s4] =	ssyncset.s32 $0xFFFFF086  }
0x25: {  	[simem:s6], [sflag:s4] =	dma.local [hbm:s3], $0xF7A  }
0x26: {  	[smem:$0x3F9A] =	sst s1;
	(tag) =	ssettag s2;
	_ =	strace s9  }
0x27: {  	s1 =	sld [smem:$0x3FAA]  }
0x28: {  	s2 =	sld [smem:$0x3FAB]  }
0x29: {  	s4 =	sld [smem:$0x3FAD]  }
0x2a: {  	p0 =	seq.s32 s5, $0x0;
	s5 =	sld [smem:$0x3FAE]  }
0x2b: {  	s6 =	sld [smem:$0x3FAF]  }
0x2c: {  	s7 =	sld [smem:$0x3FB0]  }
0x2d: {  	s3 =	simm.s32 $0x108;
	s8 =	sld [smem:$0x3FB1]  }
0x2e: {  	s3 =	simm.s32 @!p0 $0x1082;
	s9 =	sld [smem:$0x3FB2]  }
0x2f: {  	lr =	sadd.s32 s0, s3;
	s0 =	sld [smem:$0x3FA9]  }
0x30: {  	s3 =	sld [smem:$0x3FAC]  }
0x31: {  	[smem:$0x3FB5] =	sst s10  }
0x32: {  	s10 =	sld [smem:$0x3FB3];
	_ =	sdelay $0x3  }
0x33: {  	p0 =	seq.s32 s10, $0x1;
	s10 =	sld [smem:$0x3FB5];
	_ =	sdelay $0x3  }
0x34: {  	[smem:$0x3FB5] =	sst s10  }
0x35: {  	s10 =	sld [smem:$0x3FB4];
	_ =	sdelay $0x3  }
0x36: {  	p1 =	seq.s32 s10, $0x1;
	s10 =	sld [smem:$0x3FB5];
	_ =	sdelay $0x3  }
0x37: {  	[smem:$0x3FB5] =	sst s10  }
0x38: {  	s10 =	sld [smem:$0x3FB6]  }
0x39: {  	_ = 	snop;
	(pc) =	sbr.ind lr, $3  }
0x3a: {  	_ = 	snop  }
0x3b: {  	_ = 	snop  }
0x3c: {  	p2 =	seq.s32 s10, $0x1;
	s10 =	sld [smem:$0x3FB5]  }
0x3d: {  	_ =	shalt  }
0x3e: {  	_ =	shalt  }
0x3f: {  	_ =	shalt  }
0x40: {  	_ =	shalt  }
0x41: {  	_ =	shalt  }
0x42: {  	_ =	shalt  }
0x43: {  	_ =	shalt  }
0x44: {  	_ =	shalt  }
0x45: {  	_ =	shalt  }
0x46: {  	_ =	shalt  }
0x47: {  	_ =	shalt  }
0x48: {  	_ =	shalt  }
0x49: {  	_ =	shalt  }
0x4a: {  	_ =	shalt  }
0x4b: {  	_ =	shalt  }
0x4c: {  	_ =	shalt  }
0x4d: {  	_ =	shalt  }
0x4e: {  	_ =	shalt  }
0x4f: {  	_ =	shalt  }
0x50: {  	_ =	shalt  }
0x51: {  	_ =	shalt  }
0x52: {  	_ =	shalt  }
0x53: {  	_ =	shalt  }
0x54: {  	_ =	shalt  }
0x55: {  	_ =	shalt  }
0x56: {  	_ =	shalt  }
0x57: {  	_ =	shalt  }
0x58: {  	_ =	shalt  }
0x59: {  	_ =	shalt  }
0x5a: {  	_ =	shalt  }
0x5b: {  	_ =	shalt  }
0x5c: {  	_ =	shalt  }
0x5d: {  	_ =	shalt  }
0x5e: {  	_ =	shalt  }
0x5f: {  	_ =	shalt  }
0x60: {  	_ =	shalt  }
0x61: {  	_ =	shalt  }
0x62: {  	_ =	shalt  }
0x63: {  	_ =	shalt  }
0x64: {  	_ =	shalt  }
0x65: {  	_ =	shalt  }
0x66: {  	_ =	shalt  }
0x67: {  	_ =	shalt  }
0x68: {  	_ =	shalt  }
0x69: {  	_ =	shalt  }
0x6a: {  	_ =	shalt  }
0x6b: {  	_ =	shalt  }
0x6c: {  	_ =	shalt  }
0x6d: {  	_ =	shalt  }
0x6e: {  	_ =	shalt  }
0x6f: {  	_ =	shalt  }
0x70: {  	_ =	shalt  }
0x71: {  	_ =	shalt  }
0x72: {  	_ =	shalt  }
0x73: {  	_ =	shalt  }
0x74: {  	_ =	shalt  }
0x75: {  	_ =	shalt  }
0x76: {  	_ =	shalt  }
0x77: {  	_ =	shalt  }
0x78: {  	_ =	shalt  }
0x79: {  	_ =	shalt  }
0x7a: {  	_ =	shalt  }
0x7b: {  	_ =	shalt  }
0x7c: {  	_ =	shalt  }
0x7d: {  	_ =	shalt  }
0x7e: {  	_ =	shalt  }
0x7f: {  	_ =	shalt  }
0x80: {  	_ =	shalt  }
0x81: {  	_ =	shalt  }
0x82: {  	_ =	shalt  }
0x83: {  	_ =	shalt  }
0x84: {  	_ =	shalt  }
0x85: {  	_ =	shalt  }
0x86: {  	_ =	shalt  }
0x87: {  	_ =	shalt  }
.Lfunc_end0:
.L_simem_size_0:
called_computation.1_lowered:
.L_overlay_start_0:
0x88: {  	s2 =	sld [smem:$0x3FD9]  }
0x89: {  	s3 =	sld [smem:$0x3FFE];
	_ =	sdelay $0x1  }
0x8a: {  	s1 =	srdreg.scid  }
0x8b: {  	s0 =	sand.u32 $0x1, s1  }
0x8c: {  	s17 =	sshll.u32 s0, $0xA;
	s2 =	sadd.s32 s3, s2  }
0x8d: {  	s2 =	sadd.s32 s2, s17  }
0x8e: {  	[smem:$0x3FC1] =	sst s2  }
0x8f: {  	_ = 	snop  }
0x90: {  	(tm) =	ssettm $0x1  }
0x91: {  	s18 =	sld [smem:$0x3FFB];
	_ =	sdelay $0x3  }
0x92: {  	_ =	strace s18  }
0x93: {  	s2 =	sld [smem:$0x3FFC];
	_ =	sdelay $0x3  }
0x94: {  	_ =	strace s2  }
0x95: {  	s2 =	sld [smem:$0x3FFD];
	_ =	sdelay $0x3  }
0x96: {  	_ =	strace s2  }
0x97: {  	_ =	strace $0x8FFFFFFF  }
0x98: {  	s19 =	sld [smem:$0x3FDB];
	_ =	sdelay $0x1  }
0x99: {  	s20 =	simm.s32 $_scs_section_size  }
0x9a: {  	s4 =	simm.s32 $_size__tile_overlayer_lowered;
	s5 =	simm.s32 $_tile_overlayer_lowered  }
0x9b: {  	s6 =	simm.s32 $0x1BFF;
	s21 =	sshll.u32 s5, $0x1;
	s3 =	sadd.s32 s20, s19  }
0x9c: {  	s22 =	simm.s32 $0x0;
	s4 =	sshll.u32 s4, $0x1;
	s5 =	sadd.s32 s21, s3  }
0x9d: {  	[timem:s22], [sflag:s6] =	dma.local [hbm:s5], s4  }
0x9e: {  	_ =	swait.ge [sflag:s6], s4  }
0x9f: {  	s4 =	ssub.s32 $0x0, s4;
	[sflag:s6] =	ssyncset.done $0x0  }
0xa0: {  	[sflag:s6] =	ssyncadd.s32 s4;
	_ =	sdelay $0x1  }
0xa1: {  	s23 =	simm.s32 $0x1B8B  }
0xa2: {  	_ =	swait.ge [sflag:s23], $0x1  }
0xa3: {  	[sflag:s23] =	ssyncset.done $0x0  }
0xa4: {  	[sflag:s23] =	ssyncadd.s32 $0xFFFFFFFF  }
0xa5: {  	s4 =	sld [smem:$0x0]  }
0xa6: {  	s5 =	sand.u32 $0xFFFFFFFE, s1  }
0xa7: {  	p0 =	sne.s32 s1, s5  }
0xa8: {  	s5 =	sshll.u32 @p0 s5, $0xE  }
0xa9: {  	s5 =	sadd.s32 @p0 $0x11B8D, s5;
	s6 =	sshll.u32 @p0 s4, $0x11  }
0xaa: {  	s5 =	sor.u32 @p0 s6, s5  }
0xab: {  	[sflag:s5] =	ssyncadd.remote.s32 @p0 $0x1;
	_ =	sdelay $0x1  }
0xac: {  	s5 =	simm.s32 @p0 $0x1B8D  }
0xad: {  	_ =	swait.eq @p0 [sflag:s5], $0x1  }
0xae: {  	[sflag:s5] =	ssyncadd.s32 @p0 $0xFFFFFFFF  }
0xaf: {  	s6 =	sshll.u32 @!p0 s1, $0xE  }
0xb0: {  	s6 =	sor.u32 @!p0 $0x4000, s6;
	s5 =	simm.s32 @!p0 $0x1B8D  }
0xb1: {  	s4 =	sshll.u32 @!p0 s4, $0x11;
	s6 =	sadd.s32 @!p0 $0x11B8D, s6;
	_ =	swait.eq @!p0 [sflag:s5], $0x1  }
0xb2: {  	s4 =	sor.u32 @!p0 s4, s6;
	[sflag:s5] =	ssyncadd.s32 @!p0 $0xFFFFFFFF  }
0xb3: {  	s25 =	simm.s32 $0x1B8E;
	s24 =	sld [smem:$0x3FFE];
	[sflag:s4] =	ssyncadd.remote.s32 @!p0 $0x1  }
0xb4: {  	s26 =	simm.s32 $execute0_lowered;
	[smem:$0x3FD2] =	sst s25  }
0xb5: {  	s5 =	sshll.u32 s26, $0x1;
	_ =	strace $0x80000049;
	[dreg:$0x1] =	wrdreg $0xFFFFFFFF  }
0xb6: {  	s28 =	simm.s32 $_size_execute0_lowered;
	s3 =	sadd.s32 s3, s5;
	[dreg:$0x0] =	wrdreg $0x0  }
0xb7: {  	s5 =	sshll.u32 s28, $0x1;
	[dreg:$0x2] =	wrdreg s3  }
0xb8: {  	[dreg:$0x3] =	wrdreg s5  }
0xb9: {  	[dreg:$0x4] =	wrdreg $0xC0  }
0xba: {  	_ =	task [dreg:s22], $0x5FFFF  }
0xbb: {  	[dreg:$0x1] =	wrdreg $0xFFFFFFFF  }
0xbc: {  	[dreg:$0x0] =	wrdreg $0x60  }
0xbd: {  	[dreg:$0x2] =	wrdreg s24  }
0xbe: {  	[dreg:$0x3] =	wrdreg $0xA  }
0xbf: {  	_ =	task.clear_ibuf [dreg:s22], $0x4FFFF;
	_ =	strace $0x90000049  }
0xc0: {  	s29 =	simm.s32 $0xA;
	_ =	strace $0x8000004B  }
0xc1: {  	_ =	swait.ge [sflag:s29], $0x1  }
0xc2: {  	[sflag:s29] =	ssyncadd.s32 $0xFFFFFFFF  }
0xc3: {  	_ =	strace $0x9000004B  }
0xc4: {  	_ =	sfence  }
0xc5: {  	s30 =	sld [smem:$0x0];
	_ =	sdelay $0x2  }
0xc6: {  	s31 =	sshll.u32 s1, $0xD;
	s1 =	sshrl.u32 s1, $0x2  }
0xc7: {  	s4 =	sand.u32 $0x4000, s31;
	s1 =	sadd.s32 s1, s30  }
0xc8: {  	s0 =	sor.u32 s4, s0;
	s1 =	sshll.u32 s1, $0x11  }
0xc9: {  	s0 =	sor.u32 s1, s0  }
0xca: {  	s0 =	sadd.s32 $0x8F2B, s0  }
0xcb: {  	[sflag:s0] =	ssyncadd.remote.s32 $0x1  }
0xcc: {  	_ =	sfence.sel $0xFFFF  }
0xcd: {  	[dreg:$0x0] =	wrdreg $0xFFFFFFFF;
	(pc) =	sbr.abs _section_cstart, $3  }
0xce: {  	[dreg:$0x1] =	wrdreg $0xFFFFFFFF  }
0xcf: {  	_ =	task.clear_ibuf [dreg:s22], $0x2FFFF;
	_ =	strace $0x9FFFFFFF  }
0xd0: {  	(tm) =	ssettm $0x7FFFFFFF  }
0xd1: {  	_ =	shalt  }
tec
execute0_lowered:
.L_overlay_start_1:
0x0: {  	(tag) =	ssettag $0x1  }
0x1: {  	s0 =	srdreg.scid  }
0x2: {  	s1 =	sshll.u32 s0, $0x4  }
0x3: {  	s0 =	stileid.u32;
	s1 =	sand.u32 $0x10, s1  }
0x4: {  	s1 =	sor.u32 s0, s1  }
0x5: {  	s2 =	smin.u32 s1, $0x12  }
0x6: {  	s2 =	sadd.s32 s1, s2  }
0x7: {  	p0 =	slt.u32 s1, $0x12;
	s1 =	simm.s32 $0xA0;
	s2 =	smul.u32 $0x50, s2  }
0x8: {  	s1 =	simm.s32 @!p0 $0x50  }
0x9: {  	s1 =	sadd.s32 s1, s2  }
0xa: {  	s3 =	smin.u32 s1, $0xFA0  }
0xb: {  	s7 =	ssub.s32 s3, s2  }
0xc: {  	p0 =	sgt.s32 s7, $0x0  }
0xd: {  	s7 =	simm.s32 @!p0 $0x0  }
0xe: {  	s31 =	smul.u32 $0xCCCD, s7  }
0xf: {  	s9 =	rddreg [dreg:$0x0];
	s6 =	simm.s32 $0x1;
	s11 =	simm.s32 $0x3  }
0x10: {  	s13 =	simm.s32 $0x0;
	s12 =	simm.s32 $0x0;
	s8 =	sshrl.u32 s31, $0x16  }
0x11: {  	s4 =	sadd.s32 $0x2A00, s9;
	s5 =	sadd.s32 $0xC00, s9;
	s10 =	smul.u32 $0x50, s8  }
.Ltmp0:
0x12: {  	s9 =	sadd.s32 $0x32A00, s9;
	s1 =	rddreg [dreg:$0x1];
	(pc) =	sbr.rel .LBB2_1-.Ltmp0, $4  }
0x13: {  	_ =	strace $0x8000004A;
	p0 =	sne.s32 s7, s10;
	s10 =	simm.s32 $0x1  }
0x14: {  	[sflag:s6] =	ssyncpa.u1 $0x0;
	s7 =	simm.s32 $0x2;
	s10 =	simm.s32 @!p0 $0x0  }
0x15: {  	[sflag:s7] =	ssyncpa.u1 $0x0;
	p0 =	por $0x0, $0x0;
	s8 =	sadd.s32 s8, s10  }
0x16: {  	vm0 =	vmmov $0xff;
	vm1 =	vcmask $0x3F20;
	[sflag:s11] =	ssyncpa.u1 $0x0;
	s11 =	smov.u32 s2;
	s10 =	sadd.s32 $0x1, s8  }
.LBB2_6:
0x17: {  	[hbm:s17] =	stream.linear.scatter [tilespmem:s14], [sflag:$0x3], $0x400, $0x38;
	[tilespmem:$0x50A0] =	vst v63  }
.LBB2_7:
0x18: {  	s13 =	sadd.s32 $0x50, s11  }
0x19: {  	s15 =	smov.u32 s2;
	p2 =	slt.s32 s13, s3  }
0x1a: {  	s15 =	smov.u32 @p2 s13;
	p2 =	sne.s32 s12, s10  }
.Ltmp1:
0x1b: {  	p1 =	slt.u32 s12, $0x2;
	(pc) =	sbr.rel @!p2 .LBB2_8-.Ltmp1, $4  }
0x1c: {  	s14 =	simm.s32 @!p1 $0x3  }
0x1d: {  	s16 =	sadd.s32 $0x1, s12;
	_ =	swait.ge @!p1 [sflag:s14], $0x2800  }
0x1e: {  	p0 =	por !p0, !p0;
	s13 =	smov.u32 s11;
	[sflag:s14] =	ssyncset.done @!p1 $0x0  }
0x1f: {  	s12 =	smov.u32 s16;
	s11 =	smov.u32 s15;
	[sflag:s14] =	ssyncadd.s32 @!p1 $0xFFFFD800  }
.LBB2_1:
0x20: {  	p1 =	sge.u32 s12, s8  }
0x21: {  	s14 =	sxor.u32 @!p1 $0xFFFFFFFF, s12  }
0x22: {  	s14 =	sand.u32 @!p1 $0x1, s14  }
0x23: {  	s14 =	smul.u32 @!p1 $0x140, s14  }
0x24: {  	s31 =	sadd.s32 $0xFFFFFFFF, s12;
	s15 =	sshrl.u32 @!p1 s11, $0x3  }
0x25: {  	s16 =	sand.u32 @!p1 $0x7, s11;
	s15 =	sadd.s32 @!p1 s5, s15;
	s14 =	sshrl.u32 @!p1 s14, $0x2  }
0x26: {  	[tilespmem:s14], [sflag:$0x2] =	stream.linear.gather @!p1 [hbm4b:s15+s16], $0x50, $0x38;
	[tilespmem:$0x50A0] =	vst v63  }
0x27: {  	p1 =	sge.u32 s31, s8  }
.Ltmp2:
0x28: {  	_ = 	snop;
	(pc) =	sbr.rel @p1 .LBB2_7-.Ltmp2, $1  }
0x29: {  	_ =	sdelay $0x3  }
0x2a: {  	s14 =	simm.s32 $0x1  }
0x2b: {  	s14 =	simm.s32 @!p0 $0x0  }
0x2c: {  	s15 =	smul.u32 $0x140, s14  }
0x2d: {  	_ =	swait.ge [sflag:s7], $0x50  }
0x2e: {  	[sflag:s7] =	ssyncset.done $0x0;
	s16 =	sshrl.u32 s15, $0x2  }
0x2f: {  	[sflag:s7] =	ssyncadd.s32 $0xFFFFFFB0;
	s15 =	sadd.s32 $0x0, s16  }
0x30: {  	v0 =	vld.msk [tilespmem:s15+$0x0 ss:$0x1], $0xffff;
	_ =	sdelay $0x4  }
0x31: {  	vm2 =	vgt.s32 v0, $0x0  }
0x32: {  	v0 =	vnsel vm2, $0x0, v0  }
0x33: {  	v0 =	vmin.u32 v0, $0x2FFF  }
0x34: {  	v0 =	vshll.u32 v0, $0x4  }
0x35: {  	s14 =	smul.u32 $0xA000, s14;
	_ =	sdelay $0x1  }
0x36: {  	s14 =	sshrl.u32 s14, $0x2  }
0x37: {  	s14 =	sor.u32 $0xA0, s14  }
0x38: {  	[tilespmem:s14], [sflag:$0x1] =	stream.indirect_vreg.gather [hbm:s4], $0x80, v0, vm0, $0x38;
	[tilespmem:$0x50A0] =	vst v63  }
0x39: {  	s17 =	sadd.s32 $0x10, s16;
	s15 =	sadd.s32 $0x400, s14  }
0x3a: {  	[tilespmem:s15], [sflag:$0x1] =	stream.indirect_vreg.gather [hbm:s4], $0x80, v0, vm1, $0x38;
	[tilespmem:$0x50A0] =	vst v63  }
0x3b: {  	s18 =	simm.s32 $0x80;
	v0 =	vld.msk [tilespmem:s17+$0x0 ss:$0x1], $0xffff;
	s17 =	smov.u32 s14  }
.LBB2_3:
0x3c: {  	p1 =	sne.s32 s18, $0x100;
	_ =	sdelay $0x4  }
0x3d: {  	vm2 =	vgt.s32 v0, $0x0  }
0x3e: {  	v0 =	vnsel vm2, $0x0, v0  }
0x3f: {  	v0 =	vmin.u32 v0, $0x2FFF  }
0x40: {  	v0 =	vshll.u32 v0, $0x4;
	_ =	sdelay $0x3  }
.Ltmp3:
0x41: {  	s19 =	sshra.s32 s18, $0x2;
	s17 =	sadd.s32 $0x800, s17;
	(pc) =	sbr.rel @p1 .LBB2_3-.Ltmp3, $4  }
0x42: {  	[tilespmem:s17], [sflag:$0x1] =	stream.indirect_vreg.gather [hbm:s4], $0x80, v0, vm0, $0x38;
	[tilespmem:$0x50A0] =	vst v63  }
0x43: {  	s19 =	sadd.s32 s19, s16;
	s20 =	sadd.s32 $0x400, s17  }
0x44: {  	[tilespmem:s20], [sflag:$0x1] =	stream.indirect_vreg.gather [hbm:s4], $0x80, v0, vm1, $0x38;
	[tilespmem:$0x50A0] =	vst v63  }
0x45: {  	s18 =	sadd.s32 $0x40, s18;
	v0 =	vld.msk [tilespmem:s19+$0x0 ss:$0x1], $0xffff  }
0x46: {  	_ =	sdelay $0x3  }
0x47: {  	vm2 =	vgt.s32 v0, $0x0  }
0x48: {  	v0 =	vnsel vm2, $0x0, v0  }
0x49: {  	v0 =	vmin.u32 v0, $0x2FFF  }
0x4a: {  	v0 =	vshll.u32 v0, $0x4;
	_ =	sdelay $0x3  }
0x4b: {  	s16 =	sadd.s32 $0x800, s17  }
0x4c: {  	[tilespmem:s16], [sflag:$0x1] =	stream.indirect_vreg.gather [hbm:s4], $0x80, v0, vm0, $0x38;
	[tilespmem:$0x50A0] =	vst v63  }
0x4d: {  	s16 =	sadd.s32 $0x400, s16  }
0x4e: {  	[tilespmem:s16], [sflag:$0x1] =	stream.indirect_vreg.gather [hbm:s4], $0x80, v0, vm1, $0x38;
	[tilespmem:$0x50A0] =	vst v63  }
0x4f: {  	s13 =	sshll.u32 s13, $0x4;
	_ =	swait.ge [sflag:s6], $0x2800  }
0x50: {  	s13 =	sadd.s32 s13, s9;
	[sflag:s6] =	ssyncset.done $0x0  }
0x51: {  	s17 =	sadd.s32 $0x0, s13;
	s16 =	simm.s32 $0x80;
	[sflag:s6] =	ssyncadd.s32 $0xFFFFD800  }
.LBB2_5:
0x52: {  	[hbm:s17] =	stream.linear.scatter [tilespmem:s14], [sflag:$0x3], $0x400, $0x38;
	[tilespmem:$0x50A0] =	vst v63  }
0x53: {  	s17 =	smov.u32 s16;
	s14 =	smov.u32 s15;
	p1 =	sne.s32 s16, $0x480  }
.Ltmp4:
0x54: {  	s16 =	sadd.s32 $0x80, s16;
	(pc) =	sbr.rel @p1 .LBB2_5-.Ltmp4, $2  }
0x55: {  	_ =	sdelay $0x2  }
0x56: {  	s15 =	sadd.s32 $0x400, s15;
	s17 =	sadd.s32 s17, s13  }
.Ltmp5:
0x57: {  	_ = 	snop;
	(pc) =	sbr.rel .LBB2_6-.Ltmp5, $1  }
0x58: {  	_ =	sdelay $0x3  }
.LBB2_8:
0x59: {  	_ =	sfence.sel $0x180000  }
0x5a: {  	s2 =	simm.s32 $0x2;
	[bflag:$0x0] =	sbarrier.arrive $0xFFFF  }
0x5b: {  	s30 =	simm.s32 $0x3;
	[sflag:s2] =	ssyncpa.u1 $0x1  }
0x5c: {  	s31 =	simm.s32 $0x1;
	[sflag:s30] =	ssyncpa.u1 $0x1  }
0x5d: {  	[sflag:s31] =	ssyncpa.u1 $0x1  }
0x5e: {  	p0 =	sne.s32 s0, $0x0;
	_ =	strace $0x9000004A  }
0x5f: {  	s0 =	sadd.s32 @!p0 $0x100000, s1;
	[bflag:$0x2] =	sbarrier.arrive $0xFFFF  }
0x60: {  	[sflag:s0] =	ssyncadd.tile.s32 @!p0 $0x1;
	_ =	shalt  }
.Lfunc_end2:
_tile_overlayer_lowered:
.L_overlay_start_2:
0x61: {  	(tag) =	ssettag $0x2  }
0x62: {  	s0 =	rddreg [dreg:$0x0];
	s2 =	stileid.u32  }
0x63: {  	s1 =	rddreg [dreg:$0x1];
	p0 =	sne.s32 s2, $0x0  }
0x64: {  	s3 =	rddreg [dreg:$0x2];
	[bflag:$0x3] =	sbarrier.arrive $0xFFFF;
	s2 =	simm.s32 @!p0 $0x1C01  }
0x65: {  	[timem:s3], [sflag:s2] =	dma.local @!p0 [hbm:s0], s1  }
0x66: {  	s0 =	simm.s32 @!p0 $0x1  }
0x67: {  	_ =	swait.ge @!p0 [sflag:s0], s1  }
0x68: {  	s1 =	ssub.s32 @!p0 $0x0, s1;
	[sflag:s0] =	ssyncset.done @!p0 $0x0  }
0x69: {  	[sflag:s0] =	ssyncadd.s32 @!p0 s1  }
0x6a: {  	[bflag:$0x3] =	sbarrier.arrive $0xFFFF  }
0x6b: {  	_ =	shalt  }

// kernel: gather_offload_async_start.2
scs
__scs_entry_jumppad:
0x0: {  	(pc) =	sbr.rel $0x88, $3  }
0x1: {  	(tag) =	ssettag $0x0;
	lr =	simm.s32 $0x1  }
0x2: {  	[smem:$0x3F9A] =	sst lr;
	_ =	strace $0xD0000000  }
0x3: {  	_ = 	snop  }
0x4: {  	_ = 	snop  }
0x5: {  	_ = 	snop  }
0x6: {  	_ = 	snop  }
0x7: {  	_ = 	snop  }
__scs_overlays_trampoline_lowered:
0x8: {  	[smem:$0x3FA9] =	sst s0  }
0x9: {  	[smem:$0x3FAA] =	sst s1  }
0xa: {  	[smem:$0x3FAB] =	sst s2  }
0xb: {  	[smem:$0x3FAC] =	sst s3  }
0xc: {  	[smem:$0x3FAD] =	sst s4  }
0xd: {  	[smem:$0x3FAE] =	sst s5  }
0xe: {  	[smem:$0x3FAF] =	sst s6  }
0xf: {  	[smem:$0x3FB0] =	sst s7  }
0x10: {  	[smem:$0x3FB1] =	sst s8  }
0x11: {  	[smem:$0x3FB2] =	sst s9;
	s0 =	simm.s32 @!p0 $0x0  }
0x12: {  	s1 =	sld [smem:$0x3F98];
	s0 =	simm.s32 @p0 $0x1  }
0x13: {  	[smem:$0x3FB3] =	sst s0;
	s0 =	simm.s32 @!p1 $0x0  }
0x14: {  	s2 =	sld [smem:$0x3F97];
	s0 =	simm.s32 @p1 $0x1  }
0x15: {  	[smem:$0x3FB4] =	sst s0;
	s0 =	simm.s32 @!p2 $0x0  }
0x16: {  	s3 =	sld [smem:$0x3FDB];
	s0 =	simm.s32 @p2 $0x1  }
0x17: {  	s4 =	simm.s32 $0x1BF5;
	[smem:$0x3FB6] =	sst s0  }
0x18: {  	s0 =	sld [smem:$0x3F99];
	_ =	swait.ge [sflag:s4], $0x0  }
0x19: {  	s7 =	sld [smem:$0x3F9A]  }
0x1a: {  	s8 =	sadd.s32 $0xFFFFE003, lr  }
0x1b: {  	s9 =	sadd.s32 $0xFFFFFEF7, lr;
	s5 =	simm.s32 $0xFFFFFFFF;
	p2 =	slt.u32 s8, $0xFFFFF086  }
0x1c: {  	p1 =	slt.u32 s9, $0xF7A;
	s5 =	simm.s32 @!p2 $0x0  }
0x1d: {  	s5 =	simm.s32 @p1 $0x1;
	p0 =	seq.s32 s7, s2  }
0x1e: {  	s7 =	smul.u32 @!p0 $0xF7A, s2;
	p2 =	seq.s32 @!p0 s5, $0x0  }
0x1f: {  	s9 =	smul.u32 $0xF7A, s1;
	s8 =	simm.s32 @!p0 $0x1BF5;
	p2 =	por !p2, p0  }
0x20: {  	[sflag:s8] =	ssyncset.s32 @!p0 $0xFFFFF086;
	s6 =	sadd.s32 @!p0 s3, s7;
	s7 =	simm.s32 @!p0 $0x108  }
0x21: {  	s3 =	sadd.s32 s3, s9;
	s6 =	sadd.s32 @!p0 $0x88, s6;
	s7 =	simm.s32 @p2 $0x1082  }
0x22: {  	[simem:s7], [sflag:s8] =	dma.local @!p0 [hbm:s6], $0xF7A  }
0x23: {  	s9 =	sor.u32 $0xD0000000, s2;
	s6 =	simm.s32 $0x108;
	_ =	swait.ge @!p0 [sflag:s8], $0x0  }
0x24: {  	s3 =	sadd.s32 $0x88, s3;
	s6 =	simm.s32 @!p1 $0x1082;
	[sflag:s4] =	ssyncset.s32 $0xFFFFF086  }
0x25: {  	[simem:s6], [sflag:s4] =	dma.local [hbm:s3], $0xF7A  }
0x26: {  	[smem:$0x3F9A] =	sst s1;
	(tag) =	ssettag s2;
	_ =	strace s9  }
0x27: {  	s1 =	sld [smem:$0x3FAA]  }
0x28: {  	s2 =	sld [smem:$0x3FAB]  }
0x29: {  	s4 =	sld [smem:$0x3FAD]  }
0x2a: {  	p0 =	seq.s32 s5, $0x0;
	s5 =	sld [smem:$0x3FAE]  }
0x2b: {  	s6 =	sld [smem:$0x3FAF]  }
0x2c: {  	s7 =	sld [smem:$0x3FB0]  }
0x2d: {  	s3 =	simm.s32 $0x108;
	s8 =	sld [smem:$0x3FB1]  }
0x2e: {  	s3 =	simm.s32 @!p0 $0x1082;
	s9 =	sld [smem:$0x3FB2]  }
0x2f: {  	lr =	sadd.s32 s0, s3;
	s0 =	sld [smem:$0x3FA9]  }
0x30: {  	s3 =	sld [smem:$0x3FAC]  }
0x31: {  	[smem:$0x3FB5] =	sst s10  }
0x32: {  	s10 =	sld [smem:$0x3FB3];
	_ =	sdelay $0x3  }
0x33: {  	p0 =	seq.s32 s10, $0x1;
	s10 =	sld [smem:$0x3FB5];
	_ =	sdelay $0x3  }
0x34: {  	[smem:$0x3FB5] =	sst s10  }
0x35: {  	s10 =	sld [smem:$0x3FB4];
	_ =	sdelay $0x3  }
0x36: {  	p1 =	seq.s32 s10, $0x1;
	s10 =	sld [smem:$0x3FB5];
	_ =	sdelay $0x3  }
0x37: {  	[smem:$0x3FB5] =	sst s10  }
0x38: {  	s10 =	sld [smem:$0x3FB6]  }
0x39: {  	_ = 	snop;
	(pc) =	sbr.ind lr, $3  }
0x3a: {  	_ = 	snop  }
0x3b: {  	_ = 	snop  }
0x3c: {  	p2 =	seq.s32 s10, $0x1;
	s10 =	sld [smem:$0x3FB5]  }
0x3d: {  	_ =	shalt  }
0x3e: {  	_ =	shalt  }
0x3f: {  	_ =	shalt  }
0x40: {  	_ =	shalt  }
0x41: {  	_ =	shalt  }
0x42: {  	_ =	shalt  }
0x43: {  	_ =	shalt  }
0x44: {  	_ =	shalt  }
0x45: {  	_ =	shalt  }
0x46: {  	_ =	shalt  }
0x47: {  	_ =	shalt  }
0x48: {  	_ =	shalt  }
0x49: {  	_ =	shalt  }
0x4a: {  	_ =	shalt  }
0x4b: {  	_ =	shalt  }
0x4c: {  	_ =	shalt  }
0x4d: {  	_ =	shalt  }
0x4e: {  	_ =	shalt  }
0x4f: {  	_ =	shalt  }
0x50: {  	_ =	shalt  }
0x51: {  	_ =	shalt  }
0x52: {  	_ =	shalt  }
0x53: {  	_ =	shalt  }
0x54: {  	_ =	shalt  }
0x55: {  	_ =	shalt  }
0x56: {  	_ =	shalt  }
0x57: {  	_ =	shalt  }
0x58: {  	_ =	shalt  }
0x59: {  	_ =	shalt  }
0x5a: {  	_ =	shalt  }
0x5b: {  	_ =	shalt  }
0x5c: {  	_ =	shalt  }
0x5d: {  	_ =	shalt  }
0x5e: {  	_ =	shalt  }
0x5f: {  	_ =	shalt  }
0x60: {  	_ =	shalt  }
0x61: {  	_ =	shalt  }
0x62: {  	_ =	shalt  }
0x63: {  	_ =	shalt  }
0x64: {  	_ =	shalt  }
0x65: {  	_ =	shalt  }
0x66: {  	_ =	shalt  }
0x67: {  	_ =	shalt  }
0x68: {  	_ =	shalt  }
0x69: {  	_ =	shalt  }
0x6a: {  	_ =	shalt  }
0x6b: {  	_ =	shalt  }
0x6c: {  	_ =	shalt  }
0x6d: {  	_ =	shalt  }
0x6e: {  	_ =	shalt  }
0x6f: {  	_ =	shalt  }
0x70: {  	_ =	shalt  }
0x71: {  	_ =	shalt  }
0x72: {  	_ =	shalt  }
0x73: {  	_ =	shalt  }
0x74: {  	_ =	shalt  }
0x75: {  	_ =	shalt  }
0x76: {  	_ =	shalt  }
0x77: {  	_ =	shalt  }
0x78: {  	_ =	shalt  }
0x79: {  	_ =	shalt  }
0x7a: {  	_ =	shalt  }
0x7b: {  	_ =	shalt  }
0x7c: {  	_ =	shalt  }
0x7d: {  	_ =	shalt  }
0x7e: {  	_ =	shalt  }
0x7f: {  	_ =	shalt  }
0x80: {  	_ =	shalt  }
0x81: {  	_ =	shalt  }
0x82: {  	_ =	shalt  }
0x83: {  	_ =	shalt  }
0x84: {  	_ =	shalt  }
0x85: {  	_ =	shalt  }
0x86: {  	_ =	shalt  }
0x87: {  	_ =	shalt  }
.Lfunc_end0:
.L_simem_size_0:
called_computation.2_lowered:
.L_overlay_start_0:
0x88: {  	s2 =	sld [smem:$0x3FD9]  }
0x89: {  	s3 =	sld [smem:$0x3FFE];
	_ =	sdelay $0x1  }
0x8a: {  	s1 =	srdreg.scid  }
0x8b: {  	s0 =	sand.u32 $0x1, s1  }
0x8c: {  	s17 =	sshll.u32 s0, $0xA;
	s2 =	sadd.s32 s3, s2  }
0x8d: {  	s2 =	sadd.s32 s2, s17  }
0x8e: {  	[smem:$0x3FC1] =	sst s2  }
0x8f: {  	_ = 	snop  }
0x90: {  	(tm) =	ssettm $0x1  }
0x91: {  	s18 =	sld [smem:$0x3FFB];
	_ =	sdelay $0x3  }
0x92: {  	_ =	strace s18  }
0x93: {  	s2 =	sld [smem:$0x3FFC];
	_ =	sdelay $0x3  }
0x94: {  	_ =	strace s2  }
0x95: {  	s2 =	sld [smem:$0x3FFD];
	_ =	sdelay $0x3  }
0x96: {  	_ =	strace s2  }
0x97: {  	_ =	strace $0x8FFFFFFF  }
0x98: {  	s19 =	sld [smem:$0x3FDB];
	_ =	sdelay $0x1  }
0x99: {  	s20 =	simm.s32 $_scs_section_size  }
0x9a: {  	s4 =	simm.s32 $_size__tile_overlayer_lowered;
	s5 =	simm.s32 $_tile_overlayer_lowered  }
0x9b: {  	s6 =	simm.s32 $0x1BFF;
	s21 =	sshll.u32 s5, $0x1;
	s3 =	sadd.s32 s20, s19  }
0x9c: {  	s22 =	simm.s32 $0x0;
	s4 =	sshll.u32 s4, $0x1;
	s5 =	sadd.s32 s21, s3  }
0x9d: {  	[timem:s22], [sflag:s6] =	dma.local [hbm:s5], s4  }
0x9e: {  	_ =	swait.ge [sflag:s6], s4  }
0x9f: {  	s4 =	ssub.s32 $0x0, s4;
	[sflag:s6] =	ssyncset.done $0x0  }
0xa0: {  	[sflag:s6] =	ssyncadd.s32 s4;
	_ =	sdelay $0x1  }
0xa1: {  	s23 =	simm.s32 $0x1B8B  }
0xa2: {  	_ =	swait.ge [sflag:s23], $0x1  }
0xa3: {  	[sflag:s23] =	ssyncset.done $0x0  }
0xa4: {  	[sflag:s23] =	ssyncadd.s32 $0xFFFFFFFF  }
0xa5: {  	s4 =	sld [smem:$0x0]  }
0xa6: {  	s5 =	sand.u32 $0xFFFFFFFE, s1  }
0xa7: {  	p0 =	sne.s32 s1, s5  }
0xa8: {  	s5 =	sshll.u32 @p0 s5, $0xE  }
0xa9: {  	s5 =	sadd.s32 @p0 $0x11B8D, s5;
	s6 =	sshll.u32 @p0 s4, $0x11  }
0xaa: {  	s5 =	sor.u32 @p0 s6, s5  }
0xab: {  	[sflag:s5] =	ssyncadd.remote.s32 @p0 $0x1;
	_ =	sdelay $0x1  }
0xac: {  	s5 =	simm.s32 @p0 $0x1B8D  }
0xad: {  	_ =	swait.eq @p0 [sflag:s5], $0x1  }
0xae: {  	[sflag:s5] =	ssyncadd.s32 @p0 $0xFFFFFFFF  }
0xaf: {  	s6 =	sshll.u32 @!p0 s1, $0xE  }
0xb0: {  	s6 =	sor.u32 @!p0 $0x4000, s6;
	s5 =	simm.s32 @!p0 $0x1B8D  }
0xb1: {  	s4 =	sshll.u32 @!p0 s4, $0x11;
	s6 =	sadd.s32 @!p0 $0x11B8D, s6;
	_ =	swait.eq @!p0 [sflag:s5], $0x1  }
0xb2: {  	s4 =	sor.u32 @!p0 s4, s6;
	[sflag:s5] =	ssyncadd.s32 @!p0 $0xFFFFFFFF  }
0xb3: {  	s25 =	simm.s32 $0x1B8E;
	s24 =	sld [smem:$0x3FFE];
	[sflag:s4] =	ssyncadd.remote.s32 @!p0 $0x1  }
0xb4: {  	s26 =	simm.s32 $execute0_lowered;
	[smem:$0x3FD2] =	sst s25  }
0xb5: {  	s5 =	sshll.u32 s26, $0x1;
	_ =	strace $0x8000004F;
	[dreg:$0x1] =	wrdreg $0xFFFFFFFF  }
0xb6: {  	s28 =	simm.s32 $_size_execute0_lowered;
	s3 =	sadd.s32 s3, s5;
	[dreg:$0x0] =	wrdreg $0x0  }
0xb7: {  	s5 =	sshll.u32 s28, $0x1;
	[dreg:$0x2] =	wrdreg s3  }
0xb8: {  	[dreg:$0x3] =	wrdreg s5  }
0xb9: {  	[dreg:$0x4] =	wrdreg $0xC0  }
0xba: {  	_ =	task [dreg:s22], $0x5FFFF  }
0xbb: {  	[dreg:$0x1] =	wrdreg $0xFFFFFFFF  }
0xbc: {  	[dreg:$0x0] =	wrdreg $0x60  }
0xbd: {  	[dreg:$0x2] =	wrdreg s24  }
0xbe: {  	[dreg:$0x3] =	wrdreg $0xB  }
0xbf: {  	_ =	task.clear_ibuf [dreg:s22], $0x4FFFF;
	_ =	strace $0x9000004F  }
0xc0: {  	s29 =	simm.s32 $0xB;
	_ =	strace $0x80000051  }
0xc1: {  	_ =	swait.ge [sflag:s29], $0x1  }
0xc2: {  	[sflag:s29] =	ssyncadd.s32 $0xFFFFFFFF  }
0xc3: {  	_ =	strace $0x90000051  }
0xc4: {  	_ =	sfence  }
0xc5: {  	s30 =	sld [smem:$0x0];
	_ =	sdelay $0x2  }
0xc6: {  	s31 =	sshll.u32 s1, $0xD;
	s1 =	sshrl.u32 s1, $0x2  }
0xc7: {  	s4 =	sand.u32 $0x4000, s31;
	s1 =	sadd.s32 s1, s30  }
0xc8: {  	s0 =	sor.u32 s4, s0;
	s1 =	sshll.u32 s1, $0x11  }
0xc9: {  	s0 =	sor.u32 s1, s0  }
0xca: {  	s0 =	sadd.s32 $0x8F2B, s0  }
0xcb: {  	[sflag:s0] =	ssyncadd.remote.s32 $0x1  }
0xcc: {  	_ =	sfence.sel $0xFFFF  }
0xcd: {  	[dreg:$0x0] =	wrdreg $0xFFFFFFFF;
	(pc) =	sbr.abs _section_cstart, $3  }
0xce: {  	[dreg:$0x1] =	wrdreg $0xFFFFFFFF  }
0xcf: {  	_ =	task.clear_ibuf [dreg:s22], $0x2FFFF;
	_ =	strace $0x9FFFFFFF  }
0xd0: {  	(tm) =	ssettm $0x7FFFFFFF  }
0xd1: {  	_ =	shalt  }
tec
execute0_lowered:
.L_overlay_start_1:
0x0: {  	(tag) =	ssettag $0x1  }
0x1: {  	s0 =	srdreg.scid  }
0x2: {  	s1 =	sshll.u32 s0, $0x4  }
0x3: {  	s0 =	stileid.u32;
	s1 =	sand.u32 $0x10, s1  }
0x4: {  	s1 =	sor.u32 s0, s1  }
0x5: {  	s2 =	smin.u32 s1, $0x12  }
0x6: {  	s2 =	sadd.s32 s1, s2  }
0x7: {  	p0 =	slt.u32 s1, $0x12;
	s1 =	simm.s32 $0xA0;
	s2 =	smul.u32 $0x50, s2  }
0x8: {  	s1 =	simm.s32 @!p0 $0x50  }
0x9: {  	s1 =	sadd.s32 s1, s2  }
0xa: {  	s3 =	smin.u32 s1, $0xFA0  }
0xb: {  	s7 =	ssub.s32 s3, s2  }
0xc: {  	p0 =	sgt.s32 s7, $0x0  }
0xd: {  	s7 =	simm.s32 @!p0 $0x0  }
0xe: {  	s31 =	smul.u32 $0xCCCD, s7  }
0xf: {  	s9 =	rddreg [dreg:$0x0];
	s6 =	simm.s32 $0x1;
	s11 =	simm.s32 $0x3  }
0x10: {  	s13 =	simm.s32 $0x0;
	s12 =	simm.s32 $0x0;
	s8 =	sshrl.u32 s31, $0x16  }
0x11: {  	s4 =	sadd.s32 $0x82200, s9;
	s5 =	sadd.s32 $0x82000, s9;
	s10 =	smul.u32 $0x50, s8  }
.Ltmp0:
0x12: {  	s9 =	sadd.s32 $0x8E200, s9;
	s1 =	rddreg [dreg:$0x1];
	(pc) =	sbr.rel .LBB2_1-.Ltmp0, $4  }
0x13: {  	_ =	strace $0x80000050;
	p0 =	sne.s32 s7, s10;
	s10 =	simm.s32 $0x1  }
0x14: {  	[sflag:s6] =	ssyncpa.u1 $0x0;
	s7 =	simm.s32 $0x2;
	s10 =	simm.s32 @!p0 $0x0  }
0x15: {  	[sflag:s7] =	ssyncpa.u1 $0x0;
	p0 =	por $0x0, $0x0;
	s8 =	sadd.s32 s8, s10  }
0x16: {  	vm0 =	vmmov $0xff;
	vm1 =	vcmask $0x3F20;
	[sflag:s11] =	ssyncpa.u1 $0x0;
	s11 =	smov.u32 s2;
	s10 =	sadd.s32 $0x1, s8  }
.LBB2_6:
0x17: {  	[hbm:s17] =	stream.linear.scatter [tilespmem:s14], [sflag:$0x3], $0x400, $0x38;
	[tilespmem:$0x50A0] =	vst v63  }
.LBB2_7:
0x18: {  	s13 =	sadd.s32 $0x50, s11  }
0x19: {  	s15 =	smov.u32 s2;
	p2 =	slt.s32 s13, s3  }
0x1a: {  	s15 =	smov.u32 @p2 s13;
	p2 =	sne.s32 s12, s10  }
.Ltmp1:
0x1b: {  	p1 =	slt.u32 s12, $0x2;
	(pc) =	sbr.rel @!p2 .LBB2_8-.Ltmp1, $4  }
0x1c: {  	s14 =	simm.s32 @!p1 $0x3  }
0x1d: {  	s16 =	sadd.s32 $0x1, s12;
	_ =	swait.ge @!p1 [sflag:s14], $0x2800  }
0x1e: {  	p0 =	por !p0, !p0;
	s13 =	smov.u32 s11;
	[sflag:s14] =	ssyncset.done @!p1 $0x0  }
0x1f: {  	s12 =	smov.u32 s16;
	s11 =	smov.u32 s15;
	[sflag:s14] =	ssyncadd.s32 @!p1 $0xFFFFD800  }
.LBB2_1:
0x20: {  	p1 =	sge.u32 s12, s8  }
0x21: {  	s14 =	sxor.u32 @!p1 $0xFFFFFFFF, s12  }
0x22: {  	s14 =	sand.u32 @!p1 $0x1, s14  }
0x23: {  	s14 =	smul.u32 @!p1 $0x140, s14  }
0x24: {  	s31 =	sadd.s32 $0xFFFFFFFF, s12;
	s15 =	sshrl.u32 @!p1 s11, $0x3  }
0x25: {  	s16 =	sand.u32 @!p1 $0x7, s11;
	s15 =	sadd.s32 @!p1 s5, s15;
	s14 =	sshrl.u32 @!p1 s14, $0x2  }
0x26: {  	[tilespmem:s14], [sflag:$0x2] =	stream.linear.gather @!p1 [hbm4b:s15+s16], $0x50, $0x38;
	[tilespmem:$0x50A0] =	vst v63  }
0x27: {  	p1 =	sge.u32 s31, s8  }
.Ltmp2:
0x28: {  	_ = 	snop;
	(pc) =	sbr.rel @p1 .LBB2_7-.Ltmp2, $1  }
0x29: {  	_ =	sdelay $0x3  }
0x2a: {  	s14 =	simm.s32 $0x1  }
0x2b: {  	s14 =	simm.s32 @!p0 $0x0  }
0x2c: {  	s15 =	smul.u32 $0x140, s14  }
0x2d: {  	_ =	swait.ge [sflag:s7], $0x50  }
0x2e: {  	[sflag:s7] =	ssyncset.done $0x0;
	s16 =	sshrl.u32 s15, $0x2  }
0x2f: {  	[sflag:s7] =	ssyncadd.s32 $0xFFFFFFB0;
	s15 =	sadd.s32 $0x0, s16  }
0x30: {  	v0 =	vld.msk [tilespmem:s15+$0x0 ss:$0x1], $0xffff;
	_ =	sdelay $0x4  }
0x31: {  	vm2 =	vgt.s32 v0, $0x0  }
0x32: {  	v0 =	vnsel vm2, $0x0, v0  }
0x33: {  	v0 =	vmin.u32 v0, $0xBFF  }
0x34: {  	v0 =	vshll.u32 v0, $0x4  }
0x35: {  	s14 =	smul.u32 $0xA000, s14;
	_ =	sdelay $0x1  }
0x36: {  	s14 =	sshrl.u32 s14, $0x2  }
0x37: {  	s14 =	sor.u32 $0xA0, s14  }
0x38: {  	[tilespmem:s14], [sflag:$0x1] =	stream.indirect_vreg.gather [hbm:s4], $0x80, v0, vm0, $0x38;
	[tilespmem:$0x50A0] =	vst v63  }
0x39: {  	s17 =	sadd.s32 $0x10, s16;
	s15 =	sadd.s32 $0x400, s14  }
0x3a: {  	[tilespmem:s15], [sflag:$0x1] =	stream.indirect_vreg.gather [hbm:s4], $0x80, v0, vm1, $0x38;
	[tilespmem:$0x50A0] =	vst v63  }
0x3b: {  	s18 =	simm.s32 $0x80;
	v0 =	vld.msk [tilespmem:s17+$0x0 ss:$0x1], $0xffff;
	s17 =	smov.u32 s14  }
.LBB2_3:
0x3c: {  	p1 =	sne.s32 s18, $0x100;
	_ =	sdelay $0x4  }
0x3d: {  	vm2 =	vgt.s32 v0, $0x0  }
0x3e: {  	v0 =	vnsel vm2, $0x0, v0  }
0x3f: {  	v0 =	vmin.u32 v0, $0xBFF  }
0x40: {  	v0 =	vshll.u32 v0, $0x4;
	_ =	sdelay $0x3  }
.Ltmp3:
0x41: {  	s19 =	sshra.s32 s18, $0x2;
	s17 =	sadd.s32 $0x800, s17;
	(pc) =	sbr.rel @p1 .LBB2_3-.Ltmp3, $4  }
0x42: {  	[tilespmem:s17], [sflag:$0x1] =	stream.indirect_vreg.gather [hbm:s4], $0x80, v0, vm0, $0x38;
	[tilespmem:$0x50A0] =	vst v63  }
0x43: {  	s19 =	sadd.s32 s19, s16;
	s20 =	sadd.s32 $0x400, s17  }
0x44: {  	[tilespmem:s20], [sflag:$0x1] =	stream.indirect_vreg.gather [hbm:s4], $0x80, v0, vm1, $0x38;
	[tilespmem:$0x50A0] =	vst v63  }
0x45: {  	s18 =	sadd.s32 $0x40, s18;
	v0 =	vld.msk [tilespmem:s19+$0x0 ss:$0x1], $0xffff  }
0x46: {  	_ =	sdelay $0x3  }
0x47: {  	vm2 =	vgt.s32 v0, $0x0  }
0x48: {  	v0 =	vnsel vm2, $0x0, v0  }
0x49: {  	v0 =	vmin.u32 v0, $0xBFF  }
0x4a: {  	v0 =	vshll.u32 v0, $0x4;
	_ =	sdelay $0x3  }
0x4b: {  	s16 =	sadd.s32 $0x800, s17  }
0x4c: {  	[tilespmem:s16], [sflag:$0x1] =	stream.indirect_vreg.gather [hbm:s4], $0x80, v0, vm0, $0x38;
	[tilespmem:$0x50A0] =	vst v63  }
0x4d: {  	s16 =	sadd.s32 $0x400, s16  }
0x4e: {  	[tilespmem:s16], [sflag:$0x1] =	stream.indirect_vreg.gather [hbm:s4], $0x80, v0, vm1, $0x38;
	[tilespmem:$0x50A0] =	vst v63  }
0x4f: {  	s13 =	sshll.u32 s13, $0x4;
	_ =	swait.ge [sflag:s6], $0x2800  }
0x50: {  	s13 =	sadd.s32 s13, s9;
	[sflag:s6] =	ssyncset.done $0x0  }
0x51: {  	s17 =	sadd.s32 $0x0, s13;
	s16 =	simm.s32 $0x80;
	[sflag:s6] =	ssyncadd.s32 $0xFFFFD800  }
.LBB2_5:
0x52: {  	[hbm:s17] =	stream.linear.scatter [tilespmem:s14], [sflag:$0x3], $0x400, $0x38;
	[tilespmem:$0x50A0] =	vst v63  }
0x53: {  	s17 =	smov.u32 s16;
	s14 =	smov.u32 s15;
	p1 =	sne.s32 s16, $0x480  }
.Ltmp4:
0x54: {  	s16 =	sadd.s32 $0x80, s16;
	(pc) =	sbr.rel @p1 .LBB2_5-.Ltmp4, $2  }
0x55: {  	_ =	sdelay $0x2  }
0x56: {  	s15 =	sadd.s32 $0x400, s15;
	s17 =	sadd.s32 s17, s13  }
.Ltmp5:
0x57: {  	_ = 	snop;
	(pc) =	sbr.rel .LBB2_6-.Ltmp5, $1  }
0x58: {  	_ =	sdelay $0x3  }
.LBB2_8:
0x59: {  	_ =	sfence.sel $0x180000  }
0x5a: {  	s2 =	simm.s32 $0x2;
	[bflag:$0x0] =	sbarrier.arrive $0xFFFF  }
0x5b: {  	s30 =	simm.s32 $0x3;
	[sflag:s2] =	ssyncpa.u1 $0x1  }
0x5c: {  	s31 =	simm.s32 $0x1;
	[sflag:s30] =	ssyncpa.u1 $0x1  }
0x5d: {  	[sflag:s31] =	ssyncpa.u1 $0x1  }
0x5e: {  	p0 =	sne.s32 s0, $0x0;
	_ =	strace $0x90000050  }
0x5f: {  	s0 =	sadd.s32 @!p0 $0x100000, s1;
	[bflag:$0x2] =	sbarrier.arrive $0xFFFF  }
0x60: {  	[sflag:s0] =	ssyncadd.tile.s32 @!p0 $0x1;
	_ =	shalt  }
.Lfunc_end2:
_tile_overlayer_lowered:
.L_overlay_start_2:
0x61: {  	(tag) =	ssettag $0x2  }
0x62: {  	s0 =	rddreg [dreg:$0x0];
	s2 =	stileid.u32  }
0x63: {  	s1 =	rddreg [dreg:$0x1];
	p0 =	sne.s32 s2, $0x0  }
0x64: {  	s3 =	rddreg [dreg:$0x2];
	[bflag:$0x3] =	sbarrier.arrive $0xFFFF;
	s2 =	simm.s32 @!p0 $0x1C01  }
0x65: {  	[timem:s3], [sflag:s2] =	dma.local @!p0 [hbm:s0], s1  }
0x66: {  	s0 =	simm.s32 @!p0 $0x1  }
0x67: {  	_ =	swait.ge @!p0 [sflag:s0], s1  }
0x68: {  	s1 =	ssub.s32 @!p0 $0x0, s1;
	[sflag:s0] =	ssyncset.done @!p0 $0x0  }
0x69: {  	[sflag:s0] =	ssyncadd.s32 @!p0 s1  }
0x6a: {  	[bflag:$0x3] =	sbarrier.arrive $0xFFFF  }
0x6b: {  	_ =	shalt  }

// kernel: gather_offload_async_start.3
scs
__scs_entry_jumppad:
0x0: {  	(pc) =	sbr.rel $0x88, $3  }
0x1: {  	(tag) =	ssettag $0x0;
	lr =	simm.s32 $0x1  }
0x2: {  	[smem:$0x3F9A] =	sst lr;
	_ =	strace $0xD0000000  }
0x3: {  	_ = 	snop  }
0x4: {  	_ = 	snop  }
0x5: {  	_ = 	snop  }
0x6: {  	_ = 	snop  }
0x7: {  	_ = 	snop  }
__scs_overlays_trampoline_lowered:
0x8: {  	[smem:$0x3FA9] =	sst s0  }
0x9: {  	[smem:$0x3FAA] =	sst s1  }
0xa: {  	[smem:$0x3FAB] =	sst s2  }
0xb: {  	[smem:$0x3FAC] =	sst s3  }
0xc: {  	[smem:$0x3FAD] =	sst s4  }
0xd: {  	[smem:$0x3FAE] =	sst s5  }
0xe: {  	[smem:$0x3FAF] =	sst s6  }
0xf: {  	[smem:$0x3FB0] =	sst s7  }
0x10: {  	[smem:$0x3FB1] =	sst s8  }
0x11: {  	[smem:$0x3FB2] =	sst s9;
	s0 =	simm.s32 @!p0 $0x0  }
0x12: {  	s1 =	sld [smem:$0x3F98];
	s0 =	simm.s32 @p0 $0x1  }
0x13: {  	[smem:$0x3FB3] =	sst s0;
	s0 =	simm.s32 @!p1 $0x0  }
0x14: {  	s2 =	sld [smem:$0x3F97];
	s0 =	simm.s32 @p1 $0x1  }
0x15: {  	[smem:$0x3FB4] =	sst s0;
	s0 =	simm.s32 @!p2 $0x0  }
0x16: {  	s3 =	sld [smem:$0x3FDB];
	s0 =	simm.s32 @p2 $0x1  }
0x17: {  	s4 =	simm.s32 $0x1BF5;
	[smem:$0x3FB6] =	sst s0  }
0x18: {  	s0 =	sld [smem:$0x3F99];
	_ =	swait.ge [sflag:s4], $0x0  }
0x19: {  	s7 =	sld [smem:$0x3F9A]  }
0x1a: {  	s8 =	sadd.s32 $0xFFFFE003, lr  }
0x1b: {  	s9 =	sadd.s32 $0xFFFFFEF7, lr;
	s5 =	simm.s32 $0xFFFFFFFF;
	p2 =	slt.u32 s8, $0xFFFFF086  }
0x1c: {  	p1 =	slt.u32 s9, $0xF7A;
	s5 =	simm.s32 @!p2 $0x0  }
0x1d: {  	s5 =	simm.s32 @p1 $0x1;
	p0 =	seq.s32 s7, s2  }
0x1e: {  	s7 =	smul.u32 @!p0 $0xF7A, s2;
	p2 =	seq.s32 @!p0 s5, $0x0  }
0x1f: {  	s9 =	smul.u32 $0xF7A, s1;
	s8 =	simm.s32 @!p0 $0x1BF5;
	p2 =	por !p2, p0  }
0x20: {  	[sflag:s8] =	ssyncset.s32 @!p0 $0xFFFFF086;
	s6 =	sadd.s32 @!p0 s3, s7;
	s7 =	simm.s32 @!p0 $0x108  }
0x21: {  	s3 =	sadd.s32 s3, s9;
	s6 =	sadd.s32 @!p0 $0x88, s6;
	s7 =	simm.s32 @p2 $0x1082  }
0x22: {  	[simem:s7], [sflag:s8] =	dma.local @!p0 [hbm:s6], $0xF7A  }
0x23: {  	s9 =	sor.u32 $0xD0000000, s2;
	s6 =	simm.s32 $0x108;
	_ =	swait.ge @!p0 [sflag:s8], $0x0  }
0x24: {  	s3 =	sadd.s32 $0x88, s3;
	s6 =	simm.s32 @!p1 $0x1082;
	[sflag:s4] =	ssyncset.s32 $0xFFFFF086  }
0x25: {  	[simem:s6], [sflag:s4] =	dma.local [hbm:s3], $0xF7A  }
0x26: {  	[smem:$0x3F9A] =	sst s1;
	(tag) =	ssettag s2;
	_ =	strace s9  }
0x27: {  	s1 =	sld [smem:$0x3FAA]  }
0x28: {  	s2 =	sld [smem:$0x3FAB]  }
0x29: {  	s4 =	sld [smem:$0x3FAD]  }
0x2a: {  	p0 =	seq.s32 s5, $0x0;
	s5 =	sld [smem:$0x3FAE]  }
0x2b: {  	s6 =	sld [smem:$0x3FAF]  }
0x2c: {  	s7 =	sld [smem:$0x3FB0]  }
0x2d: {  	s3 =	simm.s32 $0x108;
	s8 =	sld [smem:$0x3FB1]  }
0x2e: {  	s3 =	simm.s32 @!p0 $0x1082;
	s9 =	sld [smem:$0x3FB2]  }
0x2f: {  	lr =	sadd.s32 s0, s3;
	s0 =	sld [smem:$0x3FA9]  }
0x30: {  	s3 =	sld [smem:$0x3FAC]  }
0x31: {  	[smem:$0x3FB5] =	sst s10  }
0x32: {  	s10 =	sld [smem:$0x3FB3];
	_ =	sdelay $0x3  }
0x33: {  	p0 =	seq.s32 s10, $0x1;
	s10 =	sld [smem:$0x3FB5];
	_ =	sdelay $0x3  }
0x34: {  	[smem:$0x3FB5] =	sst s10  }
0x35: {  	s10 =	sld [smem:$0x3FB4];
	_ =	sdelay $0x3  }
0x36: {  	p1 =	seq.s32 s10, $0x1;
	s10 =	sld [smem:$0x3FB5];
	_ =	sdelay $0x3  }
0x37: {  	[smem:$0x3FB5] =	sst s10  }
0x38: {  	s10 =	sld [smem:$0x3FB6]  }
0x39: {  	_ = 	snop;
	(pc) =	sbr.ind lr, $3  }
0x3a: {  	_ = 	snop  }
0x3b: {  	_ = 	snop  }
0x3c: {  	p2 =	seq.s32 s10, $0x1;
	s10 =	sld [smem:$0x3FB5]  }
0x3d: {  	_ =	shalt  }
0x3e: {  	_ =	shalt  }
0x3f: {  	_ =	shalt  }
0x40: {  	_ =	shalt  }
0x41: {  	_ =	shalt  }
0x42: {  	_ =	shalt  }
0x43: {  	_ =	shalt  }
0x44: {  	_ =	shalt  }
0x45: {  	_ =	shalt  }
0x46: {  	_ =	shalt  }
0x47: {  	_ =	shalt  }
0x48: {  	_ =	shalt  }
0x49: {  	_ =	shalt  }
0x4a: {  	_ =	shalt  }
0x4b: {  	_ =	shalt  }
0x4c: {  	_ =	shalt  }
0x4d: {  	_ =	shalt  }
0x4e: {  	_ =	shalt  }
0x4f: {  	_ =	shalt  }
0x50: {  	_ =	shalt  }
0x51: {  	_ =	shalt  }
0x52: {  	_ =	shalt  }
0x53: {  	_ =	shalt  }
0x54: {  	_ =	shalt  }
0x55: {  	_ =	shalt  }
0x56: {  	_ =	shalt  }
0x57: {  	_ =	shalt  }
0x58: {  	_ =	shalt  }
0x59: {  	_ =	shalt  }
0x5a: {  	_ =	shalt  }
0x5b: {  	_ =	shalt  }
0x5c: {  	_ =	shalt  }
0x5d: {  	_ =	shalt  }
0x5e: {  	_ =	shalt  }
0x5f: {  	_ =	shalt  }
0x60: {  	_ =	shalt  }
0x61: {  	_ =	shalt  }
0x62: {  	_ =	shalt  }
0x63: {  	_ =	shalt  }
0x64: {  	_ =	shalt  }
0x65: {  	_ =	shalt  }
0x66: {  	_ =	shalt  }
0x67: {  	_ =	shalt  }
0x68: {  	_ =	shalt  }
0x69: {  	_ =	shalt  }
0x6a: {  	_ =	shalt  }
0x6b: {  	_ =	shalt  }
0x6c: {  	_ =	shalt  }
0x6d: {  	_ =	shalt  }
0x6e: {  	_ =	shalt  }
0x6f: {  	_ =	shalt  }
0x70: {  	_ =	shalt  }
0x71: {  	_ =	shalt  }
0x72: {  	_ =	shalt  }
0x73: {  	_ =	shalt  }
0x74: {  	_ =	shalt  }
0x75: {  	_ =	shalt  }
0x76: {  	_ =	shalt  }
0x77: {  	_ =	shalt  }
0x78: {  	_ =	shalt  }
0x79: {  	_ =	shalt  }
0x7a: {  	_ =	shalt  }
0x7b: {  	_ =	shalt  }
0x7c: {  	_ =	shalt  }
0x7d: {  	_ =	shalt  }
0x7e: {  	_ =	shalt  }
0x7f: {  	_ =	shalt  }
0x80: {  	_ =	shalt  }
0x81: {  	_ =	shalt  }
0x82: {  	_ =	shalt  }
0x83: {  	_ =	shalt  }
0x84: {  	_ =	shalt  }
0x85: {  	_ =	shalt  }
0x86: {  	_ =	shalt  }
0x87: {  	_ =	shalt  }
.Lfunc_end0:
.L_simem_size_0:
called_computation.3_lowered:
.L_overlay_start_0:
0x88: {  	s2 =	sld [smem:$0x3FD9]  }
0x89: {  	s3 =	sld [smem:$0x3FFE];
	_ =	sdelay $0x1  }
0x8a: {  	s1 =	srdreg.scid  }
0x8b: {  	s0 =	sand.u32 $0x1, s1  }
0x8c: {  	s17 =	sshll.u32 s0, $0xA;
	s2 =	sadd.s32 s3, s2  }
0x8d: {  	s2 =	sadd.s32 s2, s17  }
0x8e: {  	[smem:$0x3FC1] =	sst s2  }
0x8f: {  	_ = 	snop  }
0x90: {  	(tm) =	ssettm $0x1  }
0x91: {  	s18 =	sld [smem:$0x3FFB];
	_ =	sdelay $0x3  }
0x92: {  	_ =	strace s18  }
0x93: {  	s2 =	sld [smem:$0x3FFC];
	_ =	sdelay $0x3  }
0x94: {  	_ =	strace s2  }
0x95: {  	s2 =	sld [smem:$0x3FFD];
	_ =	sdelay $0x3  }
0x96: {  	_ =	strace s2  }
0x97: {  	_ =	strace $0x8FFFFFFF  }
0x98: {  	s19 =	sld [smem:$0x3FDB];
	_ =	sdelay $0x1  }
0x99: {  	s20 =	simm.s32 $_scs_section_size  }
0x9a: {  	s4 =	simm.s32 $_size__tile_overlayer_lowered;
	s5 =	simm.s32 $_tile_overlayer_lowered  }
0x9b: {  	s6 =	simm.s32 $0x1BFF;
	s21 =	sshll.u32 s5, $0x1;
	s3 =	sadd.s32 s20, s19  }
0x9c: {  	s22 =	simm.s32 $0x0;
	s4 =	sshll.u32 s4, $0x1;
	s5 =	sadd.s32 s21, s3  }
0x9d: {  	[timem:s22], [sflag:s6] =	dma.local [hbm:s5], s4  }
0x9e: {  	_ =	swait.ge [sflag:s6], s4  }
0x9f: {  	s4 =	ssub.s32 $0x0, s4;
	[sflag:s6] =	ssyncset.done $0x0  }
0xa0: {  	[sflag:s6] =	ssyncadd.s32 s4;
	_ =	sdelay $0x1  }
0xa1: {  	s23 =	simm.s32 $0x1B8B  }
0xa2: {  	_ =	swait.ge [sflag:s23], $0x1  }
0xa3: {  	[sflag:s23] =	ssyncset.done $0x0  }
0xa4: {  	[sflag:s23] =	ssyncadd.s32 $0xFFFFFFFF  }
0xa5: {  	s4 =	sld [smem:$0x0]  }
0xa6: {  	s5 =	sand.u32 $0xFFFFFFFE, s1  }
0xa7: {  	p0 =	sne.s32 s1, s5  }
0xa8: {  	s5 =	sshll.u32 @p0 s5, $0xE  }
0xa9: {  	s5 =	sadd.s32 @p0 $0x11B8D, s5;
	s6 =	sshll.u32 @p0 s4, $0x11  }
0xaa: {  	s5 =	sor.u32 @p0 s6, s5  }
0xab: {  	[sflag:s5] =	ssyncadd.remote.s32 @p0 $0x1;
	_ =	sdelay $0x1  }
0xac: {  	s5 =	simm.s32 @p0 $0x1B8D  }
0xad: {  	_ =	swait.eq @p0 [sflag:s5], $0x1  }
0xae: {  	[sflag:s5] =	ssyncadd.s32 @p0 $0xFFFFFFFF  }
0xaf: {  	s6 =	sshll.u32 @!p0 s1, $0xE  }
0xb0: {  	s6 =	sor.u32 @!p0 $0x4000, s6;
	s5 =	simm.s32 @!p0 $0x1B8D  }
0xb1: {  	s4 =	sshll.u32 @!p0 s4, $0x11;
	s6 =	sadd.s32 @!p0 $0x11B8D, s6;
	_ =	swait.eq @!p0 [sflag:s5], $0x1  }
0xb2: {  	s4 =	sor.u32 @!p0 s4, s6;
	[sflag:s5] =	ssyncadd.s32 @!p0 $0xFFFFFFFF  }
0xb3: {  	s25 =	simm.s32 $0x1B8E;
	s24 =	sld [smem:$0x3FFE];
	[sflag:s4] =	ssyncadd.remote.s32 @!p0 $0x1  }
0xb4: {  	s26 =	simm.s32 $execute0_lowered;
	[smem:$0x3FD2] =	sst s25  }
0xb5: {  	s5 =	sshll.u32 s26, $0x1;
	_ =	strace $0x80000052;
	[dreg:$0x1] =	wrdreg $0xFFFFFFFF  }
0xb6: {  	s28 =	simm.s32 $_size_execute0_lowered;
	s3 =	sadd.s32 s3, s5;
	[dreg:$0x0] =	wrdreg $0x0  }
0xb7: {  	s5 =	sshll.u32 s28, $0x1;
	[dreg:$0x2] =	wrdreg s3  }
0xb8: {  	[dreg:$0x3] =	wrdreg s5  }
0xb9: {  	[dreg:$0x4] =	wrdreg $0xC0  }
0xba: {  	_ =	task [dreg:s22], $0x5FFFF  }
0xbb: {  	[dreg:$0x1] =	wrdreg $0xFFFFFFFF  }
0xbc: {  	[dreg:$0x0] =	wrdreg $0x60  }
0xbd: {  	[dreg:$0x2] =	wrdreg s24  }
0xbe: {  	[dreg:$0x3] =	wrdreg $0xC  }
0xbf: {  	_ =	task.clear_ibuf [dreg:s22], $0x4FFFF;
	_ =	strace $0x90000052  }
0xc0: {  	s29 =	simm.s32 $0xC;
	_ =	strace $0x80000054  }
0xc1: {  	_ =	swait.ge [sflag:s29], $0x1  }
0xc2: {  	[sflag:s29] =	ssyncadd.s32 $0xFFFFFFFF  }
0xc3: {  	_ =	strace $0x90000054  }
0xc4: {  	_ =	sfence  }
0xc5: {  	s30 =	sld [smem:$0x0];
	_ =	sdelay $0x2  }
0xc6: {  	s31 =	sshll.u32 s1, $0xD;
	s1 =	sshrl.u32 s1, $0x2  }
0xc7: {  	s4 =	sand.u32 $0x4000, s31;
	s1 =	sadd.s32 s1, s30  }
0xc8: {  	s0 =	sor.u32 s4, s0;
	s1 =	sshll.u32 s1, $0x11  }
0xc9: {  	s0 =	sor.u32 s1, s0  }
0xca: {  	s0 =	sadd.s32 $0x8F2B, s0  }
0xcb: {  	[sflag:s0] =	ssyncadd.remote.s32 $0x1  }
0xcc: {  	_ =	sfence.sel $0xFFFF  }
0xcd: {  	[dreg:$0x0] =	wrdreg $0xFFFFFFFF;
	(pc) =	sbr.abs _section_cstart, $3  }
0xce: {  	[dreg:$0x1] =	wrdreg $0xFFFFFFFF  }
0xcf: {  	_ =	task.clear_ibuf [dreg:s22], $0x2FFFF;
	_ =	strace $0x9FFFFFFF  }
0xd0: {  	(tm) =	ssettm $0x7FFFFFFF  }
0xd1: {  	_ =	shalt  }
tec
execute0_lowered:
.L_overlay_start_1:
0x0: {  	(tag) =	ssettag $0x1  }
0x1: {  	s0 =	srdreg.scid  }
0x2: {  	s1 =	sshll.u32 s0, $0x4  }
0x3: {  	s0 =	stileid.u32;
	s1 =	sand.u32 $0x10, s1  }
0x4: {  	s1 =	sor.u32 s0, s1  }
0x5: {  	s2 =	smin.u32 s1, $0x12  }
0x6: {  	s2 =	sadd.s32 s1, s2  }
0x7: {  	p0 =	slt.u32 s1, $0x12;
	s1 =	simm.s32 $0xA0;
	s2 =	smul.u32 $0x50, s2  }
0x8: {  	s1 =	simm.s32 @!p0 $0x50  }
0x9: {  	s1 =	sadd.s32 s1, s2  }
0xa: {  	s3 =	smin.u32 s1, $0xFA0  }
0xb: {  	s7 =	ssub.s32 s3, s2  }
0xc: {  	p0 =	sgt.s32 s7, $0x0  }
0xd: {  	s7 =	simm.s32 @!p0 $0x0  }
0xe: {  	s31 =	smul.u32 $0xCCCD, s7  }
0xf: {  	s9 =	rddreg [dreg:$0x0];
	s6 =	simm.s32 $0x1;
	s11 =	simm.s32 $0x3  }
0x10: {  	s13 =	simm.s32 $0x0;
	s12 =	simm.s32 $0x0;
	s8 =	sshrl.u32 s31, $0x16  }
0x11: {  	s4 =	sadd.s32 $0x9DE00, s9;
	s5 =	sadd.s32 $0x9DC00, s9;
	s10 =	smul.u32 $0x50, s8  }
.Ltmp0:
0x12: {  	s9 =	sadd.s32 $0xB6400, s9;
	s1 =	rddreg [dreg:$0x1];
	(pc) =	sbr.rel .LBB2_1-.Ltmp0, $4  }
0x13: {  	_ =	strace $0x80000053;
	p0 =	sne.s32 s7, s10;
	s10 =	simm.s32 $0x1  }
0x14: {  	[sflag:s6] =	ssyncpa.u1 $0x0;
	s7 =	simm.s32 $0x2;
	s10 =	simm.s32 @!p0 $0x0  }
0x15: {  	[sflag:s7] =	ssyncpa.u1 $0x0;
	p0 =	por $0x0, $0x0;
	s8 =	sadd.s32 s8, s10  }
0x16: {  	v0 =	vimm.s32 $0x0;
	vm0 =	vmmov $0xff;
	vm1 =	vcmask $0x3F20;
	[sflag:s11] =	ssyncpa.u1 $0x0;
	s11 =	smov.u32 s2;
	s10 =	sadd.s32 $0x1, s8  }
.LBB2_6:
0x17: {  	[hbm:s17] =	stream.linear.scatter [tilespmem:s14], [sflag:$0x3], $0x400, $0x38;
	[tilespmem:$0x50A0] =	vst v63  }
.LBB2_7:
0x18: {  	s13 =	sadd.s32 $0x50, s11  }
0x19: {  	s15 =	smov.u32 s2;
	p2 =	slt.s32 s13, s3  }
0x1a: {  	s15 =	smov.u32 @p2 s13;
	p2 =	sne.s32 s12, s10  }
.Ltmp1:
0x1b: {  	p1 =	slt.u32 s12, $0x2;
	(pc) =	sbr.rel @!p2 .LBB2_8-.Ltmp1, $4  }
0x1c: {  	s14 =	simm.s32 @!p1 $0x3  }
0x1d: {  	s16 =	sadd.s32 $0x1, s12;
	_ =	swait.ge @!p1 [sflag:s14], $0x2800  }
0x1e: {  	p0 =	por !p0, !p0;
	s13 =	smov.u32 s11;
	[sflag:s14] =	ssyncset.done @!p1 $0x0  }
0x1f: {  	s12 =	smov.u32 s16;
	s11 =	smov.u32 s15;
	[sflag:s14] =	ssyncadd.s32 @!p1 $0xFFFFD800  }
.LBB2_1:
0x20: {  	p1 =	sge.u32 s12, s8  }
0x21: {  	s14 =	sxor.u32 @!p1 $0xFFFFFFFF, s12  }
0x22: {  	s14 =	sand.u32 @!p1 $0x1, s14  }
0x23: {  	s14 =	smul.u32 @!p1 $0x140, s14  }
0x24: {  	s31 =	sadd.s32 $0xFFFFFFFF, s12;
	s15 =	sshrl.u32 @!p1 s11, $0x3  }
0x25: {  	s16 =	sand.u32 @!p1 $0x7, s11;
	s15 =	sadd.s32 @!p1 s5, s15;
	s14 =	sshrl.u32 @!p1 s14, $0x2  }
0x26: {  	[tilespmem:s14], [sflag:$0x2] =	stream.linear.gather @!p1 [hbm4b:s15+s16], $0x50, $0x38;
	[tilespmem:$0x50A0] =	vst v63  }
0x27: {  	p1 =	sge.u32 s31, s8  }
.Ltmp2:
0x28: {  	_ = 	snop;
	(pc) =	sbr.rel @p1 .LBB2_7-.Ltmp2, $1  }
0x29: {  	_ =	sdelay $0x3  }
0x2a: {  	s14 =	simm.s32 $0x1  }
0x2b: {  	s14 =	simm.s32 @!p0 $0x0  }
0x2c: {  	s15 =	smul.u32 $0x140, s14  }
0x2d: {  	_ =	swait.ge [sflag:s7], $0x50  }
0x2e: {  	[sflag:s7] =	ssyncset.done $0x0;
	s16 =	sshrl.u32 s15, $0x2  }
0x2f: {  	[sflag:s7] =	ssyncadd.s32 $0xFFFFFFB0;
	s15 =	sadd.s32 $0x0, s16  }
0x30: {  	v1 =	vld.msk [tilespmem:s15+$0x0 ss:$0x1], $0xffff;
	_ =	sdelay $0x4  }
0x31: {  	v2 =	vand.u32 $0x1, v1;
	v3 =	vshll.u32 v1, $0x6  }
0x32: {  	vm2 =	veq.s32 v1, $0x80000000;
	vm3 =	veq.s32 v2, $0x1;
	v1 =	vand.u32 $0x7FF80, v3  }
0x33: {  	v2 =	vsel vm3, $0x60000, v0;
	v1 =	vsel vm2, $0xFFFFFF80, v1  }
0x34: {  	v2 =	vsel vm2, $0xFFFA0000, v2;
	v3 =	vand.u32 $0xFFFFFC00, v1  }
0x35: {  	v1 =	vand.u32 $0x380, v1;
	v2 =	vadd.s32 v2, v3  }
0x36: {  	v1 =	vor.u32 v1, v2  }
0x37: {  	v1 =	vshrl.u32 v1, $0x3  }
0x38: {  	s14 =	smul.u32 $0xA000, s14;
	_ =	sdelay $0x1  }
0x39: {  	s14 =	sshrl.u32 s14, $0x2  }
0x3a: {  	s14 =	sor.u32 $0xA0, s14  }
0x3b: {  	[tilespmem:s14], [sflag:$0x1] =	stream.indirect_vreg.gather [hbm:s4], $0x80, v1, vm0, $0x38;
	[tilespmem:$0x50A0] =	vst v63  }
0x3c: {  	s17 =	sadd.s32 $0x10, s16;
	s15 =	sadd.s32 $0x400, s14  }
0x3d: {  	[tilespmem:s15], [sflag:$0x1] =	stream.indirect_vreg.gather [hbm:s4], $0x80, v1, vm1, $0x38;
	[tilespmem:$0x50A0] =	vst v63  }
0x3e: {  	s18 =	simm.s32 $0x80;
	v1 =	vld.msk [tilespmem:s17+$0x0 ss:$0x1], $0xffff;
	s17 =	smov.u32 s14  }
.LBB2_3:
0x3f: {  	p1 =	sne.s32 s18, $0x100;
	_ =	sdelay $0x4  }
0x40: {  	v2 =	vand.u32 $0x1, v1;
	v3 =	vshll.u32 v1, $0x6  }
0x41: {  	vm2 =	veq.s32 v1, $0x80000000;
	vm3 =	veq.s32 v2, $0x1;
	v1 =	vand.u32 $0x7FF80, v3  }
0x42: {  	v2 =	vsel vm3, $0x60000, v0;
	v1 =	vsel vm2, $0xFFFFFF80, v1  }
0x43: {  	v2 =	vsel vm2, $0xFFFA0000, v2;
	v3 =	vand.u32 $0xFFFFFC00, v1  }
0x44: {  	v1 =	vand.u32 $0x380, v1;
	v2 =	vadd.s32 v2, v3  }
0x45: {  	v1 =	vor.u32 v1, v2  }
0x46: {  	v1 =	vshrl.u32 v1, $0x3;
	_ =	sdelay $0x3  }
.Ltmp3:
0x47: {  	s19 =	sshra.s32 s18, $0x2;
	s17 =	sadd.s32 $0x800, s17;
	(pc) =	sbr.rel @p1 .LBB2_3-.Ltmp3, $4  }
0x48: {  	[tilespmem:s17], [sflag:$0x1] =	stream.indirect_vreg.gather [hbm:s4], $0x80, v1, vm0, $0x38;
	[tilespmem:$0x50A0] =	vst v63  }
0x49: {  	s19 =	sadd.s32 s19, s16;
	s20 =	sadd.s32 $0x400, s17  }
0x4a: {  	[tilespmem:s20], [sflag:$0x1] =	stream.indirect_vreg.gather [hbm:s4], $0x80, v1, vm1, $0x38;
	[tilespmem:$0x50A0] =	vst v63  }
0x4b: {  	s18 =	sadd.s32 $0x40, s18;
	v1 =	vld.msk [tilespmem:s19+$0x0 ss:$0x1], $0xffff  }
0x4c: {  	_ =	sdelay $0x3  }
0x4d: {  	v2 =	vand.u32 $0x1, v1;
	v3 =	vshll.u32 v1, $0x6  }
0x4e: {  	vm2 =	veq.s32 v1, $0x80000000;
	vm3 =	veq.s32 v2, $0x1;
	v1 =	vand.u32 $0x7FF80, v3  }
0x4f: {  	v2 =	vsel vm3, $0x60000, v0;
	v1 =	vsel vm2, $0xFFFFFF80, v1  }
0x50: {  	v2 =	vsel vm2, $0xFFFA0000, v2;
	v3 =	vand.u32 $0xFFFFFC00, v1  }
0x51: {  	v1 =	vand.u32 $0x380, v1;
	v2 =	vadd.s32 v2, v3  }
0x52: {  	v1 =	vor.u32 v1, v2  }
0x53: {  	v1 =	vshrl.u32 v1, $0x3;
	_ =	sdelay $0x3  }
0x54: {  	s16 =	sadd.s32 $0x800, s17  }
0x55: {  	[tilespmem:s16], [sflag:$0x1] =	stream.indirect_vreg.gather [hbm:s4], $0x80, v1, vm0, $0x38;
	[tilespmem:$0x50A0] =	vst v63  }
0x56: {  	s16 =	sadd.s32 $0x400, s16  }
0x57: {  	[tilespmem:s16], [sflag:$0x1] =	stream.indirect_vreg.gather [hbm:s4], $0x80, v1, vm1, $0x38;
	[tilespmem:$0x50A0] =	vst v63  }
0x58: {  	s13 =	sshll.u32 s13, $0x4;
	_ =	swait.ge [sflag:s6], $0x2800  }
0x59: {  	s13 =	sadd.s32 s13, s9;
	[sflag:s6] =	ssyncset.done $0x0  }
0x5a: {  	s17 =	sadd.s32 $0x0, s13;
	s16 =	simm.s32 $0x80;
	[sflag:s6] =	ssyncadd.s32 $0xFFFFD800  }
.LBB2_5:
0x5b: {  	[hbm:s17] =	stream.linear.scatter [tilespmem:s14], [sflag:$0x3], $0x400, $0x38;
	[tilespmem:$0x50A0] =	vst v63  }
0x5c: {  	s17 =	smov.u32 s16;
	s14 =	smov.u32 s15;
	p1 =	sne.s32 s16, $0x480  }
.Ltmp4:
0x5d: {  	s16 =	sadd.s32 $0x80, s16;
	(pc) =	sbr.rel @p1 .LBB2_5-.Ltmp4, $2  }
0x5e: {  	_ =	sdelay $0x2  }
0x5f: {  	s15 =	sadd.s32 $0x400, s15;
	s17 =	sadd.s32 s17, s13  }
.Ltmp5:
0x60: {  	_ = 	snop;
	(pc) =	sbr.rel .LBB2_6-.Ltmp5, $1  }
0x61: {  	_ =	sdelay $0x3  }
.LBB2_8:
0x62: {  	_ =	sfence.sel $0x180000  }
0x63: {  	s2 =	simm.s32 $0x2;
	[bflag:$0x0] =	sbarrier.arrive $0xFFFF  }
0x64: {  	s30 =	simm.s32 $0x3;
	[sflag:s2] =	ssyncpa.u1 $0x1  }
0x65: {  	s31 =	simm.s32 $0x1;
	[sflag:s30] =	ssyncpa.u1 $0x1  }
0x66: {  	[sflag:s31] =	ssyncpa.u1 $0x1  }
0x67: {  	p0 =	sne.s32 s0, $0x0;
	_ =	strace $0x90000053  }
0x68: {  	s0 =	sadd.s32 @!p0 $0x100000, s1;
	[bflag:$0x2] =	sbarrier.arrive $0xFFFF  }
0x69: {  	[sflag:s0] =	ssyncadd.tile.s32 @!p0 $0x1;
	_ =	shalt  }
.Lfunc_end2:
_tile_overlayer_lowered:
.L_overlay_start_2:
0x6a: {  	(tag) =	ssettag $0x2  }
0x6b: {  	s0 =	rddreg [dreg:$0x0];
	s2 =	stileid.u32  }
0x6c: {  	s1 =	rddreg [dreg:$0x1];
	p0 =	sne.s32 s2, $0x0  }
0x6d: {  	s3 =	rddreg [dreg:$0x2];
	[bflag:$0x3] =	sbarrier.arrive $0xFFFF;
	s2 =	simm.s32 @!p0 $0x1C01  }
0x6e: {  	[timem:s3], [sflag:s2] =	dma.local @!p0 [hbm:s0], s1  }
0x6f: {  	s0 =	simm.s32 @!p0 $0x1  }
0x70: {  	_ =	swait.ge @!p0 [sflag:s0], s1  }
0x71: {  	s1 =	ssub.s32 @!p0 $0x0, s1;
	[sflag:s0] =	ssyncset.done @!p0 $0x0  }
0x72: {  	[sflag:s0] =	ssyncadd.s32 @!p0 s1  }
0x73: {  	[bflag:$0x3] =	sbarrier.arrive $0xFFFF  }
0x74: {  	_ =	shalt  }

// kernel: gather_offload_async_start.4
scs
__scs_entry_jumppad:
0x0: {  	(pc) =	sbr.rel $0x88, $3  }
0x1: {  	(tag) =	ssettag $0x0;
	lr =	simm.s32 $0x1  }
0x2: {  	[smem:$0x3F9A] =	sst lr;
	_ =	strace $0xD0000000  }
0x3: {  	_ = 	snop  }
0x4: {  	_ = 	snop  }
0x5: {  	_ = 	snop  }
0x6: {  	_ = 	snop  }
0x7: {  	_ = 	snop  }
__scs_overlays_trampoline_lowered:
0x8: {  	[smem:$0x3FA9] =	sst s0  }
0x9: {  	[smem:$0x3FAA] =	sst s1  }
0xa: {  	[smem:$0x3FAB] =	sst s2  }
0xb: {  	[smem:$0x3FAC] =	sst s3  }
0xc: {  	[smem:$0x3FAD] =	sst s4  }
0xd: {  	[smem:$0x3FAE] =	sst s5  }
0xe: {  	[smem:$0x3FAF] =	sst s6  }
0xf: {  	[smem:$0x3FB0] =	sst s7  }
0x10: {  	[smem:$0x3FB1] =	sst s8  }
0x11: {  	[smem:$0x3FB2] =	sst s9;
	s0 =	simm.s32 @!p0 $0x0  }
0x12: {  	s1 =	sld [smem:$0x3F98];
	s0 =	simm.s32 @p0 $0x1  }
0x13: {  	[smem:$0x3FB3] =	sst s0;
	s0 =	simm.s32 @!p1 $0x0  }
0x14: {  	s2 =	sld [smem:$0x3F97];
	s0 =	simm.s32 @p1 $0x1  }
0x15: {  	[smem:$0x3FB4] =	sst s0;
	s0 =	simm.s32 @!p2 $0x0  }
0x16: {  	s3 =	sld [smem:$0x3FDB];
	s0 =	simm.s32 @p2 $0x1  }
0x17: {  	s4 =	simm.s32 $0x1BF5;
	[smem:$0x3FB6] =	sst s0  }
0x18: {  	s0 =	sld [smem:$0x3F99];
	_ =	swait.ge [sflag:s4], $0x0  }
0x19: {  	s7 =	sld [smem:$0x3F9A]  }
0x1a: {  	s8 =	sadd.s32 $0xFFFFE003, lr  }
0x1b: {  	s9 =	sadd.s32 $0xFFFFFEF7, lr;
	s5 =	simm.s32 $0xFFFFFFFF;
	p2 =	slt.u32 s8, $0xFFFFF086  }
0x1c: {  	p1 =	slt.u32 s9, $0xF7A;
	s5 =	simm.s32 @!p2 $0x0  }
0x1d: {  	s5 =	simm.s32 @p1 $0x1;
	p0 =	seq.s32 s7, s2  }
0x1e: {  	s7 =	smul.u32 @!p0 $0xF7A, s2;
	p2 =	seq.s32 @!p0 s5, $0x0  }
0x1f: {  	s9 =	smul.u32 $0xF7A, s1;
	s8 =	simm.s32 @!p0 $0x1BF5;
	p2 =	por !p2, p0  }
0x20: {  	[sflag:s8] =	ssyncset.s32 @!p0 $0xFFFFF086;
	s6 =	sadd.s32 @!p0 s3, s7;
	s7 =	simm.s32 @!p0 $0x108  }
0x21: {  	s3 =	sadd.s32 s3, s9;
	s6 =	sadd.s32 @!p0 $0x88, s6;
	s7 =	simm.s32 @p2 $0x1082  }
0x22: {  	[simem:s7], [sflag:s8] =	dma.local @!p0 [hbm:s6], $0xF7A  }
0x23: {  	s9 =	sor.u32 $0xD0000000, s2;
	s6 =	simm.s32 $0x108;
	_ =	swait.ge @!p0 [sflag:s8], $0x0  }
0x24: {  	s3 =	sadd.s32 $0x88, s3;
	s6 =	simm.s32 @!p1 $0x1082;
	[sflag:s4] =	ssyncset.s32 $0xFFFFF086  }
0x25: {  	[simem:s6], [sflag:s4] =	dma.local [hbm:s3], $0xF7A  }
0x26: {  	[smem:$0x3F9A] =	sst s1;
	(tag) =	ssettag s2;
	_ =	strace s9  }
0x27: {  	s1 =	sld [smem:$0x3FAA]  }
0x28: {  	s2 =	sld [smem:$0x3FAB]  }
0x29: {  	s4 =	sld [smem:$0x3FAD]  }
0x2a: {  	p0 =	seq.s32 s5, $0x0;
	s5 =	sld [smem:$0x3FAE]  }
0x2b: {  	s6 =	sld [smem:$0x3FAF]  }
0x2c: {  	s7 =	sld [smem:$0x3FB0]  }
0x2d: {  	s3 =	simm.s32 $0x108;
	s8 =	sld [smem:$0x3FB1]  }
0x2e: {  	s3 =	simm.s32 @!p0 $0x1082;
	s9 =	sld [smem:$0x3FB2]  }
0x2f: {  	lr =	sadd.s32 s0, s3;
	s0 =	sld [smem:$0x3FA9]  }
0x30: {  	s3 =	sld [smem:$0x3FAC]  }
0x31: {  	[smem:$0x3FB5] =	sst s10  }
0x32: {  	s10 =	sld [smem:$0x3FB3];
	_ =	sdelay $0x3  }
0x33: {  	p0 =	seq.s32 s10, $0x1;
	s10 =	sld [smem:$0x3FB5];
	_ =	sdelay $0x3  }
0x34: {  	[smem:$0x3FB5] =	sst s10  }
0x35: {  	s10 =	sld [smem:$0x3FB4];
	_ =	sdelay $0x3  }
0x36: {  	p1 =	seq.s32 s10, $0x1;
	s10 =	sld [smem:$0x3FB5];
	_ =	sdelay $0x3  }
0x37: {  	[smem:$0x3FB5] =	sst s10  }
0x38: {  	s10 =	sld [smem:$0x3FB6]  }
0x39: {  	_ = 	snop;
	(pc) =	sbr.ind lr, $3  }
0x3a: {  	_ = 	snop  }
0x3b: {  	_ = 	snop  }
0x3c: {  	p2 =	seq.s32 s10, $0x1;
	s10 =	sld [smem:$0x3FB5]  }
0x3d: {  	_ =	shalt  }
0x3e: {  	_ =	shalt  }
0x3f: {  	_ =	shalt  }
0x40: {  	_ =	shalt  }
0x41: {  	_ =	shalt  }
0x42: {  	_ =	shalt  }
0x43: {  	_ =	shalt  }
0x44: {  	_ =	shalt  }
0x45: {  	_ =	shalt  }
0x46: {  	_ =	shalt  }
0x47: {  	_ =	shalt  }
0x48: {  	_ =	shalt  }
0x49: {  	_ =	shalt  }
0x4a: {  	_ =	shalt  }
0x4b: {  	_ =	shalt  }
0x4c: {  	_ =	shalt  }
0x4d: {  	_ =	shalt  }
0x4e: {  	_ =	shalt  }
0x4f: {  	_ =	shalt  }
0x50: {  	_ =	shalt  }
0x51: {  	_ =	shalt  }
0x52: {  	_ =	shalt  }
0x53: {  	_ =	shalt  }
0x54: {  	_ =	shalt  }
0x55: {  	_ =	shalt  }
0x56: {  	_ =	shalt  }
0x57: {  	_ =	shalt  }
0x58: {  	_ =	shalt  }
0x59: {  	_ =	shalt  }
0x5a: {  	_ =	shalt  }
0x5b: {  	_ =	shalt  }
0x5c: {  	_ =	shalt  }
0x5d: {  	_ =	shalt  }
0x5e: {  	_ =	shalt  }
0x5f: {  	_ =	shalt  }
0x60: {  	_ =	shalt  }
0x61: {  	_ =	shalt  }
0x62: {  	_ =	shalt  }
0x63: {  	_ =	shalt  }
0x64: {  	_ =	shalt  }
0x65: {  	_ =	shalt  }
0x66: {  	_ =	shalt  }
0x67: {  	_ =	shalt  }
0x68: {  	_ =	shalt  }
0x69: {  	_ =	shalt  }
0x6a: {  	_ =	shalt  }
0x6b: {  	_ =	shalt  }
0x6c: {  	_ =	shalt  }
0x6d: {  	_ =	shalt  }
0x6e: {  	_ =	shalt  }
0x6f: {  	_ =	shalt  }
0x70: {  	_ =	shalt  }
0x71: {  	_ =	shalt  }
0x72: {  	_ =	shalt  }
0x73: {  	_ =	shalt  }
0x74: {  	_ =	shalt  }
0x75: {  	_ =	shalt  }
0x76: {  	_ =	shalt  }
0x77: {  	_ =	shalt  }
0x78: {  	_ =	shalt  }
0x79: {  	_ =	shalt  }
0x7a: {  	_ =	shalt  }
0x7b: {  	_ =	shalt  }
0x7c: {  	_ =	shalt  }
0x7d: {  	_ =	shalt  }
0x7e: {  	_ =	shalt  }
0x7f: {  	_ =	shalt  }
0x80: {  	_ =	shalt  }
0x81: {  	_ =	shalt  }
0x82: {  	_ =	shalt  }
0x83: {  	_ =	shalt  }
0x84: {  	_ =	shalt  }
0x85: {  	_ =	shalt  }
0x86: {  	_ =	shalt  }
0x87: {  	_ =	shalt  }
.Lfunc_end0:
.L_simem_size_0:
called_computation.4_lowered:
.L_overlay_start_0:
0x88: {  	s2 =	sld [smem:$0x3FD9]  }
0x89: {  	s3 =	sld [smem:$0x3FFE];
	_ =	sdelay $0x1  }
0x8a: {  	s1 =	srdreg.scid  }
0x8b: {  	s0 =	sand.u32 $0x1, s1  }
0x8c: {  	s16 =	sshll.u32 s0, $0xA;
	s2 =	sadd.s32 s3, s2  }
0x8d: {  	s2 =	sadd.s32 s2, s16  }
0x8e: {  	[smem:$0x3FC1] =	sst s2  }
0x8f: {  	_ = 	snop  }
0x90: {  	(tm) =	ssettm $0x1  }
0x91: {  	s17 =	sld [smem:$0x3FFB];
	_ =	sdelay $0x3  }
0x92: {  	_ =	strace s17  }
0x93: {  	s2 =	sld [smem:$0x3FFC];
	_ =	sdelay $0x3  }
0x94: {  	_ =	strace s2  }
0x95: {  	s2 =	sld [smem:$0x3FFD];
	_ =	sdelay $0x3  }
0x96: {  	_ =	strace s2  }
0x97: {  	_ =	strace $0x8FFFFFFF  }
0x98: {  	s18 =	sld [smem:$0x3FDB];
	_ =	sdelay $0x1  }
0x99: {  	s19 =	simm.s32 $_scs_section_size  }
0x9a: {  	s4 =	simm.s32 $_size__tile_overlayer_lowered;
	s5 =	simm.s32 $_tile_overlayer_lowered  }
0x9b: {  	s22 =	simm.s32 $0x1BFF;
	s21 =	sshll.u32 s5, $0x1;
	s2 =	sadd.s32 s19, s18  }
0x9c: {  	s6 =	simm.s32 $0x0;
	s20 =	sshll.u32 s4, $0x1;
	s4 =	sadd.s32 s21, s2  }
0x9d: {  	[timem:s6], [sflag:s22] =	dma.local [hbm:s4], s20  }
0x9e: {  	_ =	swait.ge [sflag:s22], s20  }
0x9f: {  	s3 =	ssub.s32 $0x0, s20;
	[sflag:s22] =	ssyncset.done $0x0  }
0xa0: {  	[sflag:s22] =	ssyncadd.s32 s3;
	_ =	sdelay $0x1  }
0xa1: {  	s23 =	simm.s32 $0x1B8B  }
0xa2: {  	_ =	swait.ge [sflag:s23], $0x1  }
0xa3: {  	[sflag:s23] =	ssyncset.done $0x0  }
0xa4: {  	s25 =	simm.s32 $0x1B8E;
	s24 =	sld [smem:$0x3FFE];
	[sflag:s23] =	ssyncadd.s32 $0xFFFFFFFF  }
0xa5: {  	s26 =	simm.s32 $execute0_lowered;
	[smem:$0x3FD2] =	sst s25  }
0xa6: {  	s4 =	sshll.u32 s26, $0x1;
	_ =	strace $0x80000046;
	[dreg:$0x1] =	wrdreg $0xFFFFFFFF  }
0xa7: {  	s28 =	simm.s32 $_size_execute0_lowered;
	s2 =	sadd.s32 s2, s4;
	[dreg:$0x0] =	wrdreg $0x0  }
0xa8: {  	s4 =	sshll.u32 s28, $0x1;
	[dreg:$0x2] =	wrdreg s2  }
0xa9: {  	[dreg:$0x3] =	wrdreg s4  }
0xaa: {  	[dreg:$0x4] =	wrdreg $0xC0  }
0xab: {  	_ =	task [dreg:s6], $0x5FFFF  }
0xac: {  	[dreg:$0x1] =	wrdreg $0xFFFFFFFF  }
0xad: {  	[dreg:$0x0] =	wrdreg $0x60  }
0xae: {  	[dreg:$0x2] =	wrdreg s24  }
0xaf: {  	[dreg:$0x3] =	wrdreg $0xC  }
0xb0: {  	_ =	task.clear_ibuf [dreg:s6], $0x4FFFF;
	_ =	strace $0x90000046  }
0xb1: {  	s29 =	simm.s32 $0xC;
	_ =	strace $0x80000048  }
0xb2: {  	_ =	swait.ge [sflag:s29], $0x1  }
0xb3: {  	[sflag:s29] =	ssyncadd.s32 $0xFFFFFFFF  }
0xb4: {  	_ =	strace $0x90000048  }
0xb5: {  	_ =	sfence  }
0xb6: {  	s30 =	sld [smem:$0x0];
	_ =	sdelay $0x2  }
0xb7: {  	s31 =	sshll.u32 s1, $0xD;
	s1 =	sshrl.u32 s1, $0x2  }
0xb8: {  	s3 =	sand.u32 $0x4000, s31;
	s1 =	sadd.s32 s1, s30  }
0xb9: {  	s0 =	sor.u32 s3, s0;
	s1 =	sshll.u32 s1, $0x11  }
0xba: {  	s0 =	sor.u32 s1, s0  }
0xbb: {  	s0 =	sadd.s32 $0x8F2B, s0  }
0xbc: {  	[sflag:s0] =	ssyncadd.remote.s32 $0x1  }
0xbd: {  	_ =	sfence.sel $0xFFFF  }
0xbe: {  	[dreg:$0x0] =	wrdreg $0xFFFFFFFF;
	(pc) =	sbr.abs _section_cstart, $3  }
0xbf: {  	[dreg:$0x1] =	wrdreg $0xFFFFFFFF  }
0xc0: {  	_ =	task.clear_ibuf [dreg:s6], $0x2FFFF;
	_ =	strace $0x9FFFFFFF  }
0xc1: {  	(tm) =	ssettm $0x7FFFFFFF  }
tec
execute0_lowered:
.L_overlay_start_1:
0x0: {  	(tag) =	ssettag $0x1  }
0x1: {  	s2 =	rddreg [dreg:$0x0]  }
0x2: {  	s0 =	rddreg [dreg:$0x1];
	s1 =	stileid.u32  }
0x3: {  	s3 =	srdreg.scid;
	_ =	strace $0x80000047;
	s4 =	simm.s32 $0x1  }
0x4: {  	s7 =	simm.s32 $0x1;
	s8 =	simm.s32 $0x1;
	s9 =	simm.s32 $0x3  }
0x5: {  	s10 =	simm.s32 $0x0;
	s5 =	sand.u32 $0x1, s3;
	s6 =	sshll.u32 s1, $0x1  }
0x6: {  	s13 =	simm.s32 $0x0;
	s12 =	simm.s32 $0x0;
	s5 =	sor.u32 s6, s5  }
.Ltmp0:
0x7: {  	[sflag:s4] =	ssyncpa.u1 $0x0;
	p0 =	slt.u32 s5, $0x13;
	(pc) =	sbr.rel .LBB2_1-.Ltmp0, $4  }
0x8: {  	s6 =	simm.s32 $0x2;
	s7 =	simm.s32 @!p0 $0x0;
	p0 =	sne.s32 s5, $0x12  }
0x9: {  	[sflag:s6] =	ssyncpa.u1 $0x0;
	s5 =	smul.u32 $0xF0, s5;
	s8 =	simm.s32 @!p0 $0x0  }
0xa: {  	s3 =	sadd.s32 $0xE00, s2;
	[sflag:s9] =	ssyncpa.u1 $0x0;
	s7 =	sadd.s32 s8, s7  }
0xb: {  	vm0 =	vmmov $0xffff;
	s8 =	sadd.s32 $0x2400, s2;
	s11 =	smov.u32 s5;
	s9 =	sadd.s32 $0x1, s7  }
.LBB2_4:
0xc: {  	vm1 =	veq.s32 v4, $0x80000000;
	v56 =	vand.u32 $0x1, v4;
	v6 =	vand.u32 $0x1FFF, v6  }
0xd: {  	v2 =	vor.u32 v2, v5;
	v59 =	vshrl.u32 v1, $0x1;
	v60 =	vand.u32 $0x1, v1  }
0xe: {  	v4 =	vsel vm1, $0xFFFFFFFF, v56;
	v6 =	vsel vm1, $0xFFFFFFFF, v6;
	v2 =	vor.u32 v3, v2  }
0xf: {  	vm1 =	veq.s32 v1, $0x80000000;
	v5 =	vand.u32 $0x1FFF, v59;
	v7 =	vshrl.u32 v4, $0x1  }
0x10: {  	v57 =	vshll.u32 v6, $0x1;
	v4 =	vshll.u32 v4, $0x7;
	v1 =	vsel vm1, $0xFFFFFFFF, v60  }
0x11: {  	v5 =	vsel vm1, $0xFFFFFFFF, v5;
	v6 =	vand.u32 $0x7F, v6;
	v7 =	vmul.u32 $0x2F00, v7  }
0x12: {  	v58 =	vand.u32 $0xFFFFFF00, v57;
	v4 =	vand.u32 $0x80, v4;
	v61 =	vshrl.u32 v1, $0x1  }
0x13: {  	v62 =	vshll.u32 v5, $0x1;
	v3 =	vadd.s32 v7, v58;
	v7 =	vmul.u32 $0x2F00, v61  }
0x14: {  	v1 =	vshll.u32 v1, $0x7;
	v3 =	vor.u32 v4, v3;
	v4 =	vand.u32 $0xFFFFFF00, v62  }
0x15: {  	v1 =	vand.u32 $0x80, v1;
	v3 =	vor.u32 v6, v3;
	v4 =	vadd.s32 v7, v4  }
0x16: {  	[tilespmem:s16], [sflag:$0x1] =	stream.indirect_vreg.gather [hbm4b:s2+s10], $0x1, v0, vm0, $0x4038;
	v63 =	vand.u32 $0x7F, v5;
	v1 =	vor.u32 v1, v4;
	[tilespmem:$0x3C0] =	vst v63  }
0x17: {  	s15 =	sadd.s32 $0x10, s15;
	(ifvalue) =	ssetifvalue $0x7FFFFFFF;
	v0 =	vor.u32 v63, v1  }
0x18: {  	[tilespmem:s15], [sflag:$0x1] =	stream.indirect_vreg.gather [hbm4b:s2+s10], $0x1, v2, vm0, $0x4038;
	[tilespmem:$0x3C0] =	vst v63  }
0x19: {  	s15 =	sadd.s32 $0x10, s15;
	(ifvalue) =	ssetifvalue $0x7FFFFFFF  }
0x1a: {  	[tilespmem:s15], [sflag:$0x1] =	stream.indirect_vreg.gather [hbm4b:s2+s10], $0x1, v3, vm0, $0x4038;
	[tilespmem:$0x3C0] =	vst v63  }
0x1b: {  	s15 =	sadd.s32 $0x10, s15;
	(ifvalue) =	ssetifvalue $0x7FFFFFFF  }
0x1c: {  	[tilespmem:s15], [sflag:$0x1] =	stream.indirect_vreg.gather [hbm4b:s2+s10], $0x1, v0, vm0, $0x4038;
	[tilespmem:$0x3C0] =	vst v63  }
0x1d: {  	_ =	swait.ge [sflag:s4], $0xF0  }
0x1e: {  	s30 =	sshrl.u32 s13, $0x3;
	[sflag:s4] =	ssyncset.done $0x0  }
0x1f: {  	s31 =	sand.u32 $0x7, s13;
	s15 =	sadd.s32 s8, s30;
	[sflag:s4] =	ssyncadd.s32 $0xFFFFFF10  }
0x20: {  	[hbm4b:s15+s31] =	stream.linear.scatter [tilespmem:s14], [sflag:$0x3], $0xF0, $0x38;
	[tilespmem:$0x3C0] =	vst v63  }
.LBB2_5:
0x21: {  	s15 =	sadd.s32 $0x1E00, s11  }
0x22: {  	p1 =	sgt.s32 s15, $0x2EDF  }
0x23: {  	s15 =	smov.u32 @p1 s5;
	p1 =	sne.s32 s12, s9  }
.Ltmp1:
0x24: {  	p0 =	slt.u32 s12, $0x2;
	(pc) =	sbr.rel @!p1 .LBB2_6-.Ltmp1, $4  }
0x25: {  	s14 =	simm.s32 @!p0 $0x3  }
0x26: {  	_ =	swait.ge @!p0 [sflag:s14], $0xF0  }
0x27: {  	s16 =	sadd.s32 $0x1, s12;
	s13 =	smov.u32 s11;
	[sflag:s14] =	ssyncset.done @!p0 $0x0  }
0x28: {  	s12 =	smov.u32 s16;
	s11 =	smov.u32 s15;
	[sflag:s14] =	ssyncadd.s32 @!p0 $0xFFFFFF10  }
.LBB2_1:
0x29: {  	p0 =	sge.u32 s12, s7  }
0x2a: {  	s14 =	sxor.u32 @!p0 $0x1, s12  }
0x2b: {  	s14 =	smul.u32 @!p0 $0x3C0, s14  }
0x2c: {  	s31 =	sadd.s32 $0xFFFFFFFF, s12;
	s15 =	sshrl.u32 @!p0 s11, $0x3  }
0x2d: {  	s16 =	sand.u32 @!p0 $0x7, s11;
	s15 =	sadd.s32 @!p0 s3, s15;
	s14 =	sshra.s32 @!p0 s14, $0x2  }
0x2e: {  	[tilespmem:s14], [sflag:$0x2] =	stream.linear.gather @!p0 [hbm4b:s15+s16], $0xF0, $0x38;
	[tilespmem:$0x3C0] =	vst v63  }
0x2f: {  	p0 =	sge.u32 s31, s7  }
.Ltmp2:
0x30: {  	_ = 	snop;
	(pc) =	sbr.rel @p0 .LBB2_5-.Ltmp2, $1  }
0x31: {  	_ =	sdelay $0x3  }
0x32: {  	s14 =	sand.u32 $0x1, s12  }
0x33: {  	_ =	swait.ge [sflag:s6], $0xF0;
	p0 =	seq.s32 s14, $0x1;
	s14 =	simm.s32 $0xF0  }
0x34: {  	[sflag:s6] =	ssyncset.done $0x0;
	s14 =	simm.s32 @!p0 $0x0  }
0x35: {  	[sflag:s6] =	ssyncadd.s32 $0xFFFFFF10;
	(ifvalue) =	ssetifvalue $0x7FFFFFFF;
	v0 =	vld.msk [tilespmem:s14+$0x0 ss:$0x1], $0xffff  }
0x36: {  	s15 =	sadd.s32 $0x10, s14  }
0x37: {  	v1 =	vld.msk [tilespmem:s15+$0x0 ss:$0x1], $0xffff;
	_ =	sdelay $0x2  }
0x38: {  	v2 =	vshrl.u32 v0, $0x1  }
0x39: {  	vm1 =	veq.s32 v0, $0x80000000;
	v0 =	vand.u32 $0x1, v0;
	v2 =	vand.u32 $0x1FFF, v2  }
0x3a: {  	v0 =	vsel vm1, $0xFFFFFFFF, v0;
	v6 =	vshrl.u32 v1, $0x1;
	v2 =	vsel vm1, $0xFFFFFFFF, v2  }
0x3b: {  	v3 =	vshrl.u32 v0, $0x1;
	v0 =	vshll.u32 v0, $0x7;
	vm1 =	veq.s32 v1, $0x80000000  }
0x3c: {  	s15 =	sadd.s32 $0x10, s15;
	v1 =	vand.u32 $0x1, v1;
	v4 =	vshll.u32 v2, $0x1;
	v3 =	vmul.u32 $0x2F00, v3  }
0x3d: {  	v0 =	vand.u32 $0x80, v0;
	v7 =	vand.u32 $0x7F, v2;
	v5 =	vand.u32 $0xFFFFFF00, v4;
	v4 =	vld.msk [tilespmem:s15+$0x0 ss:$0x1], $0xffff  }
0x3e: {  	v1 =	vsel vm1, $0xFFFFFFFF, v1;
	v2 =	vadd.s32 v3, v5;
	v3 =	vand.u32 $0x1FFF, v6  }
0x3f: {  	v3 =	vsel vm1, $0xFFFFFFFF, v3;
	v0 =	vor.u32 v0, v2;
	v2 =	vshrl.u32 v1, $0x1  }
0x40: {  	v1 =	vshll.u32 v1, $0x7;
	v5 =	vshll.u32 v3, $0x1;
	v8 =	vmul.u32 $0x2F00, v2  }
0x41: {  	s18 =	simm.s32 $0x30;
	s14 =	sadd.s32 $0x1E0, s14;
	s17 =	sadd.s32 $0x10, s15;
	v2 =	vand.u32 $0x80, v1;
	v0 =	vor.u32 v7, v0;
	v5 =	vand.u32 $0xFFFFFF00, v5  }
0x42: {  	s16 =	smov.u32 s14;
	s15 =	smov.u32 s14;
	v1 =	vld.msk [tilespmem:s17+$0x0 ss:$0x1], $0xffff;
	v3 =	vand.u32 $0x7F, v3;
	(ifvalue) =	ssetifvalue $0x7FFFFFFF;
	v6 =	vshrl.u32 v4, $0x1;
	v5 =	vadd.s32 v8, v5  }
.LBB2_3:
0x43: {  	s18 =	sadd.s32 $0x10, s18  }
0x44: {  	vm1 =	veq.s32 v4, $0x80000000;
	v4 =	vand.u32 $0x1, v4;
	v6 =	vand.u32 $0x1FFF, v6;
	s15 =	sadd.s32 $0x10, s15;
	p0 =	slt.u32 s18, $0xE0  }
.Ltmp3:
0x45: {  	v5 =	vor.u32 v2, v5;
	v4 =	vsel vm1, $0xFFFFFFFF, v4;
	v7 =	vsel vm1, $0xFFFFFFFF, v6;
	(pc) =	sbr.rel @p0 .LBB2_3-.Ltmp3, $4  }
0x46: {  	v2 =	vshrl.u32 v4, $0x1;
	v6 =	vshll.u32 v7, $0x1;
	v4 =	vshll.u32 v4, $0x7;
	[tilespmem:s16], [sflag:$0x1] =	stream.indirect_vreg.gather [hbm4b:s2+s10], $0x1, v0, vm0, $0x4038;
	[tilespmem:$0x3C0] =	vst v63  }
0x47: {  	v0 =	vor.u32 v3, v5;
	s16 =	smov.u32 s15;
	v8 =	vmul.u32 $0x2F00, v2;
	v2 =	vand.u32 $0x80, v4  }
0x48: {  	s17 =	sadd.s32 $0x10, s17;
	v9 =	vand.u32 $0xFFFFFF00, v6  }
0x49: {  	v3 =	vand.u32 $0x7F, v7;
	v6 =	vshrl.u32 v1, $0x1;
	v5 =	vadd.s32 v8, v9;
	(ifvalue) =	ssetifvalue $0x7FFFFFFF;
	v4 =	vmovc v1;
	v1 =	vld.msk [tilespmem:s17+$0x0 ss:$0x1], $0xffff  }
.Ltmp4:
0x4a: {  	_ = 	snop;
	(pc) =	sbr.rel .LBB2_4-.Ltmp4, $1  }
0x4b: {  	_ =	sdelay $0x3  }
.LBB2_6:
0x4c: {  	_ =	sfence.sel $0x180000  }
0x4d: {  	s2 =	simm.s32 $0x2;
	[bflag:$0x0] =	sbarrier.arrive $0xFFFF  }
0x4e: {  	s30 =	simm.s32 $0x3;
	[sflag:s2] =	ssyncpa.u1 $0x1  }
0x4f: {  	s31 =	simm.s32 $0x1;
	[sflag:s30] =	ssyncpa.u1 $0x1  }
0x50: {  	[sflag:s31] =	ssyncpa.u1 $0x1  }
0x51: {  	p0 =	sne.s32 s1, $0x0;
	_ =	strace $0x90000047  }
0x52: {  	s0 =	sadd.s32 @!p0 $0x100000, s0;
	[bflag:$0x2] =	sbarrier.arrive $0xFFFF  }
0x53: {  	[sflag:s0] =	ssyncadd.tile.s32 @!p0 $0x1;
	_ =	shalt  }
.Lfunc_end2:
_tile_overlayer_lowered:
.L_overlay_start_2:
0x54: {  	(tag) =	ssettag $0x2  }
0x55: {  	s0 =	rddreg [dreg:$0x0];
	s2 =	stileid.u32  }
0x56: {  	s1 =	rddreg [dreg:$0x1];
	p0 =	sne.s32 s2, $0x0  }
0x57: {  	s3 =	rddreg [dreg:$0x2];
	[bflag:$0x3] =	sbarrier.arrive $0xFFFF;
	s2 =	simm.s32 @!p0 $0x1C01  }
0x58: {  	[timem:s3], [sflag:s2] =	dma.local @!p0 [hbm:s0], s1  }
0x59: {  	s0 =	simm.s32 @!p0 $0x1  }
0x5a: {  	_ =	swait.ge @!p0 [sflag:s0], s1  }
0x5b: {  	s1 =	ssub.s32 @!p0 $0x0, s1;
	[sflag:s0] =	ssyncset.done @!p0 $0x0  }
0x5c: {  	[sflag:s0] =	ssyncadd.s32 @!p0 s1  }
0x5d: {  	[bflag:$0x3] =	sbarrier.arrive $0xFFFF  }
0x5e: {  	_ =	shalt  }

// kernel: gather_offload_async_start.5
scs
__scs_entry_jumppad:
0x0: {  	(pc) =	sbr.rel $0x88, $3  }
0x1: {  	(tag) =	ssettag $0x0;
	lr =	simm.s32 $0x1  }
0x2: {  	[smem:$0x3F9A] =	sst lr;
	_ =	strace $0xD0000000  }
0x3: {  	_ = 	snop  }
0x4: {  	_ = 	snop  }
0x5: {  	_ = 	snop  }
0x6: {  	_ = 	snop  }
0x7: {  	_ = 	snop  }
__scs_overlays_trampoline_lowered:
0x8: {  	[smem:$0x3FA9] =	sst s0  }
0x9: {  	[smem:$0x3FAA] =	sst s1  }
0xa: {  	[smem:$0x3FAB] =	sst s2  }
0xb: {  	[smem:$0x3FAC] =	sst s3  }
0xc: {  	[smem:$0x3FAD] =	sst s4  }
0xd: {  	[smem:$0x3FAE] =	sst s5  }
0xe: {  	[smem:$0x3FAF] =	sst s6  }
0xf: {  	[smem:$0x3FB0] =	sst s7  }
0x10: {  	[smem:$0x3FB1] =	sst s8  }
0x11: {  	[smem:$0x3FB2] =	sst s9;
	s0 =	simm.s32 @!p0 $0x0  }
0x12: {  	s1 =	sld [smem:$0x3F98];
	s0 =	simm.s32 @p0 $0x1  }
0x13: {  	[smem:$0x3FB3] =	sst s0;
	s0 =	simm.s32 @!p1 $0x0  }
0x14: {  	s2 =	sld [smem:$0x3F97];
	s0 =	simm.s32 @p1 $0x1  }
0x15: {  	[smem:$0x3FB4] =	sst s0;
	s0 =	simm.s32 @!p2 $0x0  }
0x16: {  	s3 =	sld [smem:$0x3FDB];
	s0 =	simm.s32 @p2 $0x1  }
0x17: {  	s4 =	simm.s32 $0x1BF5;
	[smem:$0x3FB6] =	sst s0  }
0x18: {  	s0 =	sld [smem:$0x3F99];
	_ =	swait.ge [sflag:s4], $0x0  }
0x19: {  	s7 =	sld [smem:$0x3F9A]  }
0x1a: {  	s8 =	sadd.s32 $0xFFFFE003, lr  }
0x1b: {  	s9 =	sadd.s32 $0xFFFFFEF7, lr;
	s5 =	simm.s32 $0xFFFFFFFF;
	p2 =	slt.u32 s8, $0xFFFFF086  }
0x1c: {  	p1 =	slt.u32 s9, $0xF7A;
	s5 =	simm.s32 @!p2 $0x0  }
0x1d: {  	s5 =	simm.s32 @p1 $0x1;
	p0 =	seq.s32 s7, s2  }
0x1e: {  	s7 =	smul.u32 @!p0 $0xF7A, s2;
	p2 =	seq.s32 @!p0 s5, $0x0  }
0x1f: {  	s9 =	smul.u32 $0xF7A, s1;
	s8 =	simm.s32 @!p0 $0x1BF5;
	p2 =	por !p2, p0  }
0x20: {  	[sflag:s8] =	ssyncset.s32 @!p0 $0xFFFFF086;
	s6 =	sadd.s32 @!p0 s3, s7;
	s7 =	simm.s32 @!p0 $0x108  }
0x21: {  	s3 =	sadd.s32 s3, s9;
	s6 =	sadd.s32 @!p0 $0x88, s6;
	s7 =	simm.s32 @p2 $0x1082  }
0x22: {  	[simem:s7], [sflag:s8] =	dma.local @!p0 [hbm:s6], $0xF7A  }
0x23: {  	s9 =	sor.u32 $0xD0000000, s2;
	s6 =	simm.s32 $0x108;
	_ =	swait.ge @!p0 [sflag:s8], $0x0  }
0x24: {  	s3 =	sadd.s32 $0x88, s3;
	s6 =	simm.s32 @!p1 $0x1082;
	[sflag:s4] =	ssyncset.s32 $0xFFFFF086  }
0x25: {  	[simem:s6], [sflag:s4] =	dma.local [hbm:s3], $0xF7A  }
0x26: {  	[smem:$0x3F9A] =	sst s1;
	(tag) =	ssettag s2;
	_ =	strace s9  }
0x27: {  	s1 =	sld [smem:$0x3FAA]  }
0x28: {  	s2 =	sld [smem:$0x3FAB]  }
0x29: {  	s4 =	sld [smem:$0x3FAD]  }
0x2a: {  	p0 =	seq.s32 s5, $0x0;
	s5 =	sld [smem:$0x3FAE]  }
0x2b: {  	s6 =	sld [smem:$0x3FAF]  }
0x2c: {  	s7 =	sld [smem:$0x3FB0]  }
0x2d: {  	s3 =	simm.s32 $0x108;
	s8 =	sld [smem:$0x3FB1]  }
0x2e: {  	s3 =	simm.s32 @!p0 $0x1082;
	s9 =	sld [smem:$0x3FB2]  }
0x2f: {  	lr =	sadd.s32 s0, s3;
	s0 =	sld [smem:$0x3FA9]  }
0x30: {  	s3 =	sld [smem:$0x3FAC]  }
0x31: {  	[smem:$0x3FB5] =	sst s10  }
0x32: {  	s10 =	sld [smem:$0x3FB3];
	_ =	sdelay $0x3  }
0x33: {  	p0 =	seq.s32 s10, $0x1;
	s10 =	sld [smem:$0x3FB5];
	_ =	sdelay $0x3  }
0x34: {  	[smem:$0x3FB5] =	sst s10  }
0x35: {  	s10 =	sld [smem:$0x3FB4];
	_ =	sdelay $0x3  }
0x36: {  	p1 =	seq.s32 s10, $0x1;
	s10 =	sld [smem:$0x3FB5];
	_ =	sdelay $0x3  }
0x37: {  	[smem:$0x3FB5] =	sst s10  }
0x38: {  	s10 =	sld [smem:$0x3FB6]  }
0x39: {  	_ = 	snop;
	(pc) =	sbr.ind lr, $3  }
0x3a: {  	_ = 	snop  }
0x3b: {  	_ = 	snop  }
0x3c: {  	p2 =	seq.s32 s10, $0x1;
	s10 =	sld [smem:$0x3FB5]  }
0x3d: {  	_ =	shalt  }
0x3e: {  	_ =	shalt  }
0x3f: {  	_ =	shalt  }
0x40: {  	_ =	shalt  }
0x41: {  	_ =	shalt  }
0x42: {  	_ =	shalt  }
0x43: {  	_ =	shalt  }
0x44: {  	_ =	shalt  }
0x45: {  	_ =	shalt  }
0x46: {  	_ =	shalt  }
0x47: {  	_ =	shalt  }
0x48: {  	_ =	shalt  }
0x49: {  	_ =	shalt  }
0x4a: {  	_ =	shalt  }
0x4b: {  	_ =	shalt  }
0x4c: {  	_ =	shalt  }
0x4d: {  	_ =	shalt  }
0x4e: {  	_ =	shalt  }
0x4f: {  	_ =	shalt  }
0x50: {  	_ =	shalt  }
0x51: {  	_ =	shalt  }
0x52: {  	_ =	shalt  }
0x53: {  	_ =	shalt  }
0x54: {  	_ =	shalt  }
0x55: {  	_ =	shalt  }
0x56: {  	_ =	shalt  }
0x57: {  	_ =	shalt  }
0x58: {  	_ =	shalt  }
0x59: {  	_ =	shalt  }
0x5a: {  	_ =	shalt  }
0x5b: {  	_ =	shalt  }
0x5c: {  	_ =	shalt  }
0x5d: {  	_ =	shalt  }
0x5e: {  	_ =	shalt  }
0x5f: {  	_ =	shalt  }
0x60: {  	_ =	shalt  }
0x61: {  	_ =	shalt  }
0x62: {  	_ =	shalt  }
0x63: {  	_ =	shalt  }
0x64: {  	_ =	shalt  }
0x65: {  	_ =	shalt  }
0x66: {  	_ =	shalt  }
0x67: {  	_ =	shalt  }
0x68: {  	_ =	shalt  }
0x69: {  	_ =	shalt  }
0x6a: {  	_ =	shalt  }
0x6b: {  	_ =	shalt  }
0x6c: {  	_ =	shalt  }
0x6d: {  	_ =	shalt  }
0x6e: {  	_ =	shalt  }
0x6f: {  	_ =	shalt  }
0x70: {  	_ =	shalt  }
0x71: {  	_ =	shalt  }
0x72: {  	_ =	shalt  }
0x73: {  	_ =	shalt  }
0x74: {  	_ =	shalt  }
0x75: {  	_ =	shalt  }
0x76: {  	_ =	shalt  }
0x77: {  	_ =	shalt  }
0x78: {  	_ =	shalt  }
0x79: {  	_ =	shalt  }
0x7a: {  	_ =	shalt  }
0x7b: {  	_ =	shalt  }
0x7c: {  	_ =	shalt  }
0x7d: {  	_ =	shalt  }
0x7e: {  	_ =	shalt  }
0x7f: {  	_ =	shalt  }
0x80: {  	_ =	shalt  }
0x81: {  	_ =	shalt  }
0x82: {  	_ =	shalt  }
0x83: {  	_ =	shalt  }
0x84: {  	_ =	shalt  }
0x85: {  	_ =	shalt  }
0x86: {  	_ =	shalt  }
0x87: {  	_ =	shalt  }
.Lfunc_end0:
.L_simem_size_0:
called_computation.5_lowered:
.L_overlay_start_0:
0x88: {  	s2 =	sld [smem:$0x3FD9]  }
0x89: {  	s3 =	sld [smem:$0x3FFE];
	_ =	sdelay $0x1  }
0x8a: {  	s1 =	srdreg.scid  }
0x8b: {  	s0 =	sand.u32 $0x1, s1  }
0x8c: {  	s16 =	sshll.u32 s0, $0xA;
	s2 =	sadd.s32 s3, s2  }
0x8d: {  	s2 =	sadd.s32 s2, s16  }
0x8e: {  	[smem:$0x3FC1] =	sst s2  }
0x8f: {  	_ = 	snop  }
0x90: {  	(tm) =	ssettm $0x1  }
0x91: {  	s17 =	sld [smem:$0x3FFB];
	_ =	sdelay $0x3  }
0x92: {  	_ =	strace s17  }
0x93: {  	s2 =	sld [smem:$0x3FFC];
	_ =	sdelay $0x3  }
0x94: {  	_ =	strace s2  }
0x95: {  	s2 =	sld [smem:$0x3FFD];
	_ =	sdelay $0x3  }
0x96: {  	_ =	strace s2  }
0x97: {  	_ =	strace $0x8FFFFFFF  }
0x98: {  	s18 =	sld [smem:$0x3FDB];
	_ =	sdelay $0x1  }
0x99: {  	s19 =	simm.s32 $_scs_section_size  }
0x9a: {  	s4 =	simm.s32 $_size__tile_overlayer_lowered;
	s5 =	simm.s32 $_tile_overlayer_lowered  }
0x9b: {  	s22 =	simm.s32 $0x1BFF;
	s21 =	sshll.u32 s5, $0x1;
	s2 =	sadd.s32 s19, s18  }
0x9c: {  	s6 =	simm.s32 $0x0;
	s20 =	sshll.u32 s4, $0x1;
	s4 =	sadd.s32 s21, s2  }
0x9d: {  	[timem:s6], [sflag:s22] =	dma.local [hbm:s4], s20  }
0x9e: {  	_ =	swait.ge [sflag:s22], s20  }
0x9f: {  	s3 =	ssub.s32 $0x0, s20;
	[sflag:s22] =	ssyncset.done $0x0  }
0xa0: {  	[sflag:s22] =	ssyncadd.s32 s3;
	_ =	sdelay $0x1  }
0xa1: {  	s23 =	simm.s32 $0x1B8B  }
0xa2: {  	_ =	swait.ge [sflag:s23], $0x1  }
0xa3: {  	[sflag:s23] =	ssyncset.done $0x0  }
0xa4: {  	s25 =	simm.s32 $0x1B8E;
	s24 =	sld [smem:$0x3FFE];
	[sflag:s23] =	ssyncadd.s32 $0xFFFFFFFF  }
0xa5: {  	s26 =	simm.s32 $execute0_lowered;
	[smem:$0x3FD2] =	sst s25  }
0xa6: {  	s4 =	sshll.u32 s26, $0x1;
	_ =	strace $0x80000055;
	[dreg:$0x1] =	wrdreg $0xFFFFFFFF  }
0xa7: {  	s28 =	simm.s32 $_size_execute0_lowered;
	s2 =	sadd.s32 s2, s4;
	[dreg:$0x0] =	wrdreg $0x0  }
0xa8: {  	s4 =	sshll.u32 s28, $0x1;
	[dreg:$0x2] =	wrdreg s2  }
0xa9: {  	[dreg:$0x3] =	wrdreg s4  }
0xaa: {  	[dreg:$0x4] =	wrdreg $0xC0  }
0xab: {  	_ =	task [dreg:s6], $0x5FFFF  }
0xac: {  	[dreg:$0x1] =	wrdreg $0xFFFFFFFF  }
0xad: {  	[dreg:$0x0] =	wrdreg $0x60  }
0xae: {  	[dreg:$0x2] =	wrdreg s24  }
0xaf: {  	[dreg:$0x3] =	wrdreg $0x9  }
0xb0: {  	_ =	task.clear_ibuf [dreg:s6], $0x4FFFF;
	_ =	strace $0x90000055  }
0xb1: {  	s29 =	simm.s32 $0x9;
	_ =	strace $0x80000057  }
0xb2: {  	_ =	swait.ge [sflag:s29], $0x1  }
0xb3: {  	[sflag:s29] =	ssyncadd.s32 $0xFFFFFFFF  }
0xb4: {  	_ =	strace $0x90000057  }
0xb5: {  	_ =	sfence  }
0xb6: {  	s30 =	sld [smem:$0x0];
	_ =	sdelay $0x2  }
0xb7: {  	s31 =	sshll.u32 s1, $0xD;
	s1 =	sshrl.u32 s1, $0x2  }
0xb8: {  	s3 =	sand.u32 $0x4000, s31;
	s1 =	sadd.s32 s1, s30  }
0xb9: {  	s0 =	sor.u32 s3, s0;
	s1 =	sshll.u32 s1, $0x11  }
0xba: {  	s0 =	sor.u32 s1, s0  }
0xbb: {  	s0 =	sadd.s32 $0x8F2B, s0  }
0xbc: {  	[sflag:s0] =	ssyncadd.remote.s32 $0x1  }
0xbd: {  	_ =	sfence.sel $0xFFFF  }
0xbe: {  	[dreg:$0x0] =	wrdreg $0xFFFFFFFF;
	(pc) =	sbr.abs _section_cstart, $3  }
0xbf: {  	[dreg:$0x1] =	wrdreg $0xFFFFFFFF  }
0xc0: {  	_ =	task.clear_ibuf [dreg:s6], $0x2FFFF;
	_ =	strace $0x9FFFFFFF  }
0xc1: {  	(tm) =	ssettm $0x7FFFFFFF  }
tec
execute0_lowered:
.L_overlay_start_1:
0x0: {  	(tag) =	ssettag $0x1  }
0x1: {  	s0 =	srdreg.scid  }
0x2: {  	s1 =	sshll.u32 s0, $0x4  }
0x3: {  	s0 =	stileid.u32;
	s1 =	sand.u32 $0x10, s1  }
0x4: {  	s2 =	sor.u32 s0, s1  }
0x5: {  	s1 =	smin.u32 s2, $0x1C  }
0x6: {  	s1 =	sadd.s32 s2, s1  }
0x7: {  	p0 =	slt.u32 s2, $0x1C;
	s2 =	simm.s32 $0x190;
	s1 =	smul.u32 $0xC8, s1  }
0x8: {  	s2 =	simm.s32 @!p0 $0xC8  }
0x9: {  	s2 =	sadd.s32 s2, s1  }
0xa: {  	s3 =	smin.u32 s2, $0x2EE0  }
0xb: {  	s7 =	ssub.s32 s3, s1  }
0xc: {  	p0 =	sgt.s32 s7, $0x0  }
0xd: {  	s7 =	simm.s32 @!p0 $0x0  }
0xe: {  	s31 =	sand.u32 $0xFFF8, s7  }
0xf: {  	s2 =	sshrl.u32 s31, $0x3  }
0x10: {  	s2 =	smul.u32 $0x147B, s2  }
0x11: {  	s9 =	rddreg [dreg:$0x0];
	s6 =	simm.s32 $0x1;
	s11 =	simm.s32 $0x3  }
0x12: {  	s13 =	simm.s32 $0x0;
	s12 =	simm.s32 $0x0;
	s8 =	sshrl.u32 s2, $0x11  }
0x13: {  	s4 =	sadd.s32 $0x42400, s9;
	s5 =	sadd.s32 $0xB5E00, s9;
	s10 =	smul.u32 $0xC8, s8  }
.Ltmp0:
0x14: {  	s9 =	sadd.s32 $0x2400, s9;
	s2 =	rddreg [dreg:$0x1];
	(pc) =	sbr.rel .LBB2_1-.Ltmp0, $4  }
0x15: {  	_ =	strace $0x80000056;
	p0 =	sne.s32 s7, s10;
	s10 =	simm.s32 $0x1  }
0x16: {  	[sflag:s6] =	ssyncpa.u1 $0x0;
	s7 =	simm.s32 $0x2;
	s10 =	simm.s32 @!p0 $0x0  }
0x17: {  	[sflag:s7] =	ssyncpa.u1 $0x0;
	p0 =	por $0x0, $0x0;
	s8 =	sadd.s32 s8, s10  }
0x18: {  	v0 =	vimm.s32 $0x0;
	vm0 =	vmmov $0xff;
	vm1 =	vcmask $0x3F20;
	[sflag:s11] =	ssyncpa.u1 $0x0;
	s11 =	smov.u32 s1;
	s10 =	sadd.s32 $0x1, s8  }
.LBB2_6:
0x19: {  	[hbm:s17] =	stream.linear.scatter [tilespmem:s14], [sflag:$0x3], $0x400, $0x38;
	[tilespmem:$0xC990] =	vst v63  }
.LBB2_7:
0x1a: {  	s13 =	sadd.s32 $0xC8, s11  }
0x1b: {  	s15 =	smov.u32 s1;
	p2 =	slt.s32 s13, s3  }
0x1c: {  	s15 =	smov.u32 @p2 s13;
	p2 =	sne.s32 s12, s10  }
.Ltmp1:
0x1d: {  	p1 =	slt.u32 s12, $0x2;
	(pc) =	sbr.rel @!p2 .LBB2_8-.Ltmp1, $4  }
0x1e: {  	s14 =	simm.s32 @!p1 $0x3  }
0x1f: {  	s16 =	sadd.s32 $0x1, s12;
	_ =	swait.ge @!p1 [sflag:s14], $0x6400  }
0x20: {  	p0 =	por !p0, !p0;
	s13 =	smov.u32 s11;
	[sflag:s14] =	ssyncset.done @!p1 $0x0  }
0x21: {  	s12 =	smov.u32 s16;
	s11 =	smov.u32 s15;
	[sflag:s14] =	ssyncadd.s32 @!p1 $0xFFFF9C00  }
.LBB2_1:
0x22: {  	p1 =	sge.u32 s12, s8  }
0x23: {  	s14 =	sxor.u32 @!p1 $0xFFFFFFFF, s12  }
0x24: {  	s14 =	sand.u32 @!p1 $0x1, s14  }
0x25: {  	s14 =	smul.u32 @!p1 $0x320, s14  }
0x26: {  	s31 =	sadd.s32 $0xFFFFFFFF, s12;
	s15 =	sshrl.u32 @!p1 s11, $0x3  }
0x27: {  	s16 =	sand.u32 @!p1 $0x7, s11;
	s15 =	sadd.s32 @!p1 s5, s15;
	s14 =	sshrl.u32 @!p1 s14, $0x2  }
0x28: {  	[tilespmem:s14], [sflag:$0x2] =	stream.linear.gather @!p1 [hbm4b:s15+s16], $0xC8, $0x38;
	[tilespmem:$0xC990] =	vst v63  }
0x29: {  	p1 =	sge.u32 s31, s8  }
.Ltmp2:
0x2a: {  	_ = 	snop;
	(pc) =	sbr.rel @p1 .LBB2_7-.Ltmp2, $1  }
0x2b: {  	_ =	sdelay $0x3  }
0x2c: {  	s14 =	simm.s32 $0x1  }
0x2d: {  	s14 =	simm.s32 @!p0 $0x0  }
0x2e: {  	s15 =	smul.u32 $0x320, s14  }
0x2f: {  	_ =	swait.ge [sflag:s7], $0xC8  }
0x30: {  	[sflag:s7] =	ssyncset.done $0x0;
	s17 =	sshrl.u32 s15, $0x2  }
0x31: {  	[sflag:s7] =	ssyncadd.s32 $0xFFFFFF38;
	s15 =	sadd.s32 $0x0, s17  }
0x32: {  	v1 =	vld.msk [tilespmem:s15+$0x0 ss:$0x1], $0xffff;
	_ =	sdelay $0x4  }
0x33: {  	v2 =	vand.u32 $0x1, v1;
	v3 =	vshll.u32 v1, $0x6  }
0x34: {  	vm2 =	veq.s32 v1, $0x80000000;
	vm3 =	veq.s32 v2, $0x1;
	v1 =	vand.u32 $0xFFF80, v3  }
0x35: {  	v2 =	vsel vm3, $0xBB800, v0;
	v1 =	vsel vm2, $0xFFFFFF80, v1  }
0x36: {  	v2 =	vsel vm2, $0xFFF44800, v2;
	v3 =	vand.u32 $0xFFFFFC00, v1  }
0x37: {  	v1 =	vand.u32 $0x380, v1;
	v2 =	vadd.s32 v2, v3  }
0x38: {  	v1 =	vor.u32 v1, v2  }
0x39: {  	v1 =	vshrl.u32 v1, $0x3  }
0x3a: {  	s14 =	smul.u32 $0x19000, s14  }
0x3b: {  	s31 =	sand.u32 $0x1, s12  }
0x3c: {  	s16 =	smul.u32 $0x320, s31;
	s14 =	sshrl.u32 s14, $0x2  }
0x3d: {  	s19 =	smul.u32 $0x19000, s31;
	s14 =	sor.u32 $0x190, s14  }
0x3e: {  	[tilespmem:s14], [sflag:$0x1] =	stream.indirect_vreg.gather [hbm:s4], $0x80, v1, vm0, $0x38;
	[tilespmem:$0xC990] =	vst v63  }
0x3f: {  	s18 =	sshrl.u32 s16, $0x2;
	s20 =	sadd.s32 $0x10, s17;
	s15 =	sadd.s32 $0x400, s14  }
0x40: {  	[tilespmem:s15], [sflag:$0x1] =	stream.indirect_vreg.gather [hbm:s4], $0x80, v1, vm1, $0x38;
	[tilespmem:$0xC990] =	vst v63  }
0x41: {  	s16 =	sshrl.u32 s19, $0x2;
	s19 =	smov.u32 s14;
	v1 =	vld.msk [tilespmem:s20+$0x0 ss:$0x1], $0xffff;
	s20 =	simm.s32 $0x80  }
.LBB2_3:
0x42: {  	p1 =	sne.s32 s20, $0x2C0;
	_ =	sdelay $0x4  }
0x43: {  	v2 =	vand.u32 $0x1, v1;
	v3 =	vshll.u32 v1, $0x6  }
0x44: {  	vm2 =	veq.s32 v1, $0x80000000;
	vm3 =	veq.s32 v2, $0x1;
	v1 =	vand.u32 $0xFFF80, v3  }
0x45: {  	v2 =	vsel vm3, $0xBB800, v0;
	v1 =	vsel vm2, $0xFFFFFF80, v1  }
0x46: {  	v2 =	vsel vm2, $0xFFF44800, v2;
	v3 =	vand.u32 $0xFFFFFC00, v1  }
0x47: {  	v1 =	vand.u32 $0x380, v1;
	v2 =	vadd.s32 v2, v3  }
0x48: {  	v1 =	vor.u32 v1, v2  }
0x49: {  	v1 =	vshrl.u32 v1, $0x3;
	_ =	sdelay $0x3  }
.Ltmp3:
0x4a: {  	s21 =	sshra.s32 s20, $0x2;
	s19 =	sadd.s32 $0x800, s19;
	(pc) =	sbr.rel @p1 .LBB2_3-.Ltmp3, $4  }
0x4b: {  	[tilespmem:s19], [sflag:$0x1] =	stream.indirect_vreg.gather [hbm:s4], $0x80, v1, vm0, $0x38;
	[tilespmem:$0xC990] =	vst v63  }
0x4c: {  	s21 =	sadd.s32 s21, s17;
	s22 =	sadd.s32 $0x400, s19  }
0x4d: {  	[tilespmem:s22], [sflag:$0x1] =	stream.indirect_vreg.gather [hbm:s4], $0x80, v1, vm1, $0x38;
	[tilespmem:$0xC990] =	vst v63  }
0x4e: {  	s20 =	sadd.s32 $0x40, s20;
	v1 =	vld.msk [tilespmem:s21+$0x0 ss:$0x1], $0xffff  }
0x4f: {  	_ =	sdelay $0x3  }
0x50: {  	v2 =	vand.u32 $0x1, v1;
	v3 =	vshll.u32 v1, $0x6  }
0x51: {  	vm2 =	veq.s32 v1, $0x80000000;
	vm3 =	veq.s32 v2, $0x1;
	v1 =	vand.u32 $0xFFF80, v3  }
0x52: {  	v2 =	vsel vm3, $0xBB800, v0;
	v1 =	vsel vm2, $0xFFFFFF80, v1  }
0x53: {  	v2 =	vsel vm2, $0xFFF44800, v2;
	v3 =	vand.u32 $0xFFFFFC00, v1  }
0x54: {  	v1 =	vand.u32 $0x380, v1;
	v2 =	vadd.s32 v2, v3  }
0x55: {  	v1 =	vor.u32 v1, v2  }
0x56: {  	v1 =	vshrl.u32 v1, $0x3;
	_ =	sdelay $0x3  }
0x57: {  	s17 =	sadd.s32 $0x800, s19  }
0x58: {  	[tilespmem:s17], [sflag:$0x1] =	stream.indirect_vreg.gather [hbm:s4], $0x80, v1, vm0, $0x38;
	[tilespmem:$0xC990] =	vst v63  }
0x59: {  	s17 =	sadd.s32 $0x400, s17  }
0x5a: {  	[tilespmem:s17], [sflag:$0x1] =	stream.indirect_vreg.gather [hbm:s4], $0x80, v1, vm1, $0x38;
	[tilespmem:$0xC990] =	vst v63  }
0x5b: {  	v1 =	vld.msk [tilespmem:s18+$0xC0 ss:$0x1], $0xff;
	_ =	sdelay $0x4  }
0x5c: {  	v2 =	vand.u32 $0x1, v1;
	v3 =	vshll.u32 v1, $0x6  }
0x5d: {  	vm2 =	veq.s32 v1, $0x80000000;
	vm3 =	veq.s32 v2, $0x1;
	v1 =	vand.u32 $0xFFF80, v3  }
0x5e: {  	v2 =	vsel vm3, $0xBB800, v0;
	v1 =	vsel vm2, $0xFFFFFF80, v1  }
0x5f: {  	v2 =	vsel vm2, $0xFFF44800, v2;
	v3 =	vand.u32 $0xFFFFFC00, v1  }
0x60: {  	v1 =	vand.u32 $0x380, v1;
	v2 =	vadd.s32 v2, v3  }
0x61: {  	v1 =	vor.u32 v1, v2  }
0x62: {  	v1 =	vshrl.u32 v1, $0x3;
	_ =	sdelay $0x3  }
0x63: {  	s16 =	sadd.s32 $0x6190, s16  }
0x64: {  	[tilespmem:s16], [sflag:$0x1] =	stream.indirect_vreg.gather [hbm:s4], $0x80, v1, vm0, $0x38;
	[tilespmem:$0xC990] =	vst v63  }
0x65: {  	s13 =	sshll.u32 s13, $0x4;
	_ =	swait.ge [sflag:s6], $0x6400  }
0x66: {  	s13 =	sadd.s32 s13, s9;
	[sflag:s6] =	ssyncset.done $0x0  }
0x67: {  	s17 =	sadd.s32 $0x0, s13;
	s16 =	simm.s32 $0x80;
	[sflag:s6] =	ssyncadd.s32 $0xFFFF9C00  }
.LBB2_5:
0x68: {  	[hbm:s17] =	stream.linear.scatter [tilespmem:s14], [sflag:$0x3], $0x400, $0x38;
	[tilespmem:$0xC990] =	vst v63  }
0x69: {  	s17 =	smov.u32 s16;
	s14 =	smov.u32 s15;
	p1 =	sne.s32 s16, $0xC00  }
.Ltmp4:
0x6a: {  	s16 =	sadd.s32 $0x80, s16;
	(pc) =	sbr.rel @p1 .LBB2_5-.Ltmp4, $2  }
0x6b: {  	_ =	sdelay $0x2  }
0x6c: {  	s15 =	sadd.s32 $0x400, s15;
	s17 =	sadd.s32 s17, s13  }
.Ltmp5:
0x6d: {  	_ = 	snop;
	(pc) =	sbr.rel .LBB2_6-.Ltmp5, $1  }
0x6e: {  	_ =	sdelay $0x3  }
.LBB2_8:
0x6f: {  	_ =	sfence.sel $0x180000  }
0x70: {  	s1 =	simm.s32 $0x2;
	[bflag:$0x0] =	sbarrier.arrive $0xFFFF  }
0x71: {  	s30 =	simm.s32 $0x3;
	[sflag:s1] =	ssyncpa.u1 $0x1  }
0x72: {  	s31 =	simm.s32 $0x1;
	[sflag:s30] =	ssyncpa.u1 $0x1  }
0x73: {  	[sflag:s31] =	ssyncpa.u1 $0x1  }
0x74: {  	p0 =	sne.s32 s0, $0x0;
	_ =	strace $0x90000056  }
0x75: {  	s0 =	sadd.s32 @!p0 $0x100000, s2;
	[bflag:$0x2] =	sbarrier.arrive $0xFFFF  }
0x76: {  	[sflag:s0] =	ssyncadd.tile.s32 @!p0 $0x1;
	_ =	shalt  }
.Lfunc_end2:
_tile_overlayer_lowered:
.L_overlay_start_2:
0x77: {  	(tag) =	ssettag $0x2  }
0x78: {  	s0 =	rddreg [dreg:$0x0];
	s2 =	stileid.u32  }
0x79: {  	s1 =	rddreg [dreg:$0x1];
	p0 =	sne.s32 s2, $0x0  }
0x7a: {  	s3 =	rddreg [dreg:$0x2];
	[bflag:$0x3] =	sbarrier.arrive $0xFFFF;
	s2 =	simm.s32 @!p0 $0x1C01  }
0x7b: {  	[timem:s3], [sflag:s2] =	dma.local @!p0 [hbm:s0], s1  }
0x7c: {  	s0 =	simm.s32 @!p0 $0x1  }
0x7d: {  	_ =	swait.ge @!p0 [sflag:s0], s1  }
0x7e: {  	s1 =	ssub.s32 @!p0 $0x0, s1;
	[sflag:s0] =	ssyncset.done @!p0 $0x0  }
0x7f: {  	[sflag:s0] =	ssyncadd.s32 @!p0 s1  }
0x80: {  	[bflag:$0x3] =	sbarrier.arrive $0xFFFF  }
0x81: {  	_ =	shalt  }

// kernel: gather_offload_async_start.6
scs
__scs_entry_jumppad:
0x0: {  	(pc) =	sbr.rel $0x88, $3  }
0x1: {  	(tag) =	ssettag $0x0;
	lr =	simm.s32 $0x1  }
0x2: {  	[smem:$0x3F9A] =	sst lr;
	_ =	strace $0xD0000000  }
0x3: {  	_ = 	snop  }
0x4: {  	_ = 	snop  }
0x5: {  	_ = 	snop  }
0x6: {  	_ = 	snop  }
0x7: {  	_ = 	snop  }
__scs_overlays_trampoline_lowered:
0x8: {  	[smem:$0x3FA9] =	sst s0  }
0x9: {  	[smem:$0x3FAA] =	sst s1  }
0xa: {  	[smem:$0x3FAB] =	sst s2  }
0xb: {  	[smem:$0x3FAC] =	sst s3  }
0xc: {  	[smem:$0x3FAD] =	sst s4  }
0xd: {  	[smem:$0x3FAE] =	sst s5  }
0xe: {  	[smem:$0x3FAF] =	sst s6  }
0xf: {  	[smem:$0x3FB0] =	sst s7  }
0x10: {  	[smem:$0x3FB1] =	sst s8  }
0x11: {  	[smem:$0x3FB2] =	sst s9;
	s0 =	simm.s32 @!p0 $0x0  }
0x12: {  	s1 =	sld [smem:$0x3F98];
	s0 =	simm.s32 @p0 $0x1  }
0x13: {  	[smem:$0x3FB3] =	sst s0;
	s0 =	simm.s32 @!p1 $0x0  }
0x14: {  	s2 =	sld [smem:$0x3F97];
	s0 =	simm.s32 @p1 $0x1  }
0x15: {  	[smem:$0x3FB4] =	sst s0;
	s0 =	simm.s32 @!p2 $0x0  }
0x16: {  	s3 =	sld [smem:$0x3FDB];
	s0 =	simm.s32 @p2 $0x1  }
0x17: {  	s4 =	simm.s32 $0x1BF5;
	[smem:$0x3FB6] =	sst s0  }
0x18: {  	s0 =	sld [smem:$0x3F99];
	_ =	swait.ge [sflag:s4], $0x0  }
0x19: {  	s7 =	sld [smem:$0x3F9A]  }
0x1a: {  	s8 =	sadd.s32 $0xFFFFE003, lr  }
0x1b: {  	s9 =	sadd.s32 $0xFFFFFEF7, lr;
	s5 =	simm.s32 $0xFFFFFFFF;
	p2 =	slt.u32 s8, $0xFFFFF086  }
0x1c: {  	p1 =	slt.u32 s9, $0xF7A;
	s5 =	simm.s32 @!p2 $0x0  }
0x1d: {  	s5 =	simm.s32 @p1 $0x1;
	p0 =	seq.s32 s7, s2  }
0x1e: {  	s7 =	smul.u32 @!p0 $0xF7A, s2;
	p2 =	seq.s32 @!p0 s5, $0x0  }
0x1f: {  	s9 =	smul.u32 $0xF7A, s1;
	s8 =	simm.s32 @!p0 $0x1BF5;
	p2 =	por !p2, p0  }
0x20: {  	[sflag:s8] =	ssyncset.s32 @!p0 $0xFFFFF086;
	s6 =	sadd.s32 @!p0 s3, s7;
	s7 =	simm.s32 @!p0 $0x108  }
0x21: {  	s3 =	sadd.s32 s3, s9;
	s6 =	sadd.s32 @!p0 $0x88, s6;
	s7 =	simm.s32 @p2 $0x1082  }
0x22: {  	[simem:s7], [sflag:s8] =	dma.local @!p0 [hbm:s6], $0xF7A  }
0x23: {  	s9 =	sor.u32 $0xD0000000, s2;
	s6 =	simm.s32 $0x108;
	_ =	swait.ge @!p0 [sflag:s8], $0x0  }
0x24: {  	s3 =	sadd.s32 $0x88, s3;
	s6 =	simm.s32 @!p1 $0x1082;
	[sflag:s4] =	ssyncset.s32 $0xFFFFF086  }
0x25: {  	[simem:s6], [sflag:s4] =	dma.local [hbm:s3], $0xF7A  }
0x26: {  	[smem:$0x3F9A] =	sst s1;
	(tag) =	ssettag s2;
	_ =	strace s9  }
0x27: {  	s1 =	sld [smem:$0x3FAA]  }
0x28: {  	s2 =	sld [smem:$0x3FAB]  }
0x29: {  	s4 =	sld [smem:$0x3FAD]  }
0x2a: {  	p0 =	seq.s32 s5, $0x0;
	s5 =	sld [smem:$0x3FAE]  }
0x2b: {  	s6 =	sld [smem:$0x3FAF]  }
0x2c: {  	s7 =	sld [smem:$0x3FB0]  }
0x2d: {  	s3 =	simm.s32 $0x108;
	s8 =	sld [smem:$0x3FB1]  }
0x2e: {  	s3 =	simm.s32 @!p0 $0x1082;
	s9 =	sld [smem:$0x3FB2]  }
0x2f: {  	lr =	sadd.s32 s0, s3;
	s0 =	sld [smem:$0x3FA9]  }
0x30: {  	s3 =	sld [smem:$0x3FAC]  }
0x31: {  	[smem:$0x3FB5] =	sst s10  }
0x32: {  	s10 =	sld [smem:$0x3FB3];
	_ =	sdelay $0x3  }
0x33: {  	p0 =	seq.s32 s10, $0x1;
	s10 =	sld [smem:$0x3FB5];
	_ =	sdelay $0x3  }
0x34: {  	[smem:$0x3FB5] =	sst s10  }
0x35: {  	s10 =	sld [smem:$0x3FB4];
	_ =	sdelay $0x3  }
0x36: {  	p1 =	seq.s32 s10, $0x1;
	s10 =	sld [smem:$0x3FB5];
	_ =	sdelay $0x3  }
0x37: {  	[smem:$0x3FB5] =	sst s10  }
0x38: {  	s10 =	sld [smem:$0x3FB6]  }
0x39: {  	_ = 	snop;
	(pc) =	sbr.ind lr, $3  }
0x3a: {  	_ = 	snop  }
0x3b: {  	_ = 	snop  }
0x3c: {  	p2 =	seq.s32 s10, $0x1;
	s10 =	sld [smem:$0x3FB5]  }
0x3d: {  	_ =	shalt  }
0x3e: {  	_ =	shalt  }
0x3f: {  	_ =	shalt  }
0x40: {  	_ =	shalt  }
0x41: {  	_ =	shalt  }
0x42: {  	_ =	shalt  }
0x43: {  	_ =	shalt  }
0x44: {  	_ =	shalt  }
0x45: {  	_ =	shalt  }
0x46: {  	_ =	shalt  }
0x47: {  	_ =	shalt  }
0x48: {  	_ =	shalt  }
0x49: {  	_ =	shalt  }
0x4a: {  	_ =	shalt  }
0x4b: {  	_ =	shalt  }
0x4c: {  	_ =	shalt  }
0x4d: {  	_ =	shalt  }
0x4e: {  	_ =	shalt  }
0x4f: {  	_ =	shalt  }
0x50: {  	_ =	shalt  }
0x51: {  	_ =	shalt  }
0x52: {  	_ =	shalt  }
0x53: {  	_ =	shalt  }
0x54: {  	_ =	shalt  }
0x55: {  	_ =	shalt  }
0x56: {  	_ =	shalt  }
0x57: {  	_ =	shalt  }
0x58: {  	_ =	shalt  }
0x59: {  	_ =	shalt  }
0x5a: {  	_ =	shalt  }
0x5b: {  	_ =	shalt  }
0x5c: {  	_ =	shalt  }
0x5d: {  	_ =	shalt  }
0x5e: {  	_ =	shalt  }
0x5f: {  	_ =	shalt  }
0x60: {  	_ =	shalt  }
0x61: {  	_ =	shalt  }
0x62: {  	_ =	shalt  }
0x63: {  	_ =	shalt  }
0x64: {  	_ =	shalt  }
0x65: {  	_ =	shalt  }
0x66: {  	_ =	shalt  }
0x67: {  	_ =	shalt  }
0x68: {  	_ =	shalt  }
0x69: {  	_ =	shalt  }
0x6a: {  	_ =	shalt  }
0x6b: {  	_ =	shalt  }
0x6c: {  	_ =	shalt  }
0x6d: {  	_ =	shalt  }
0x6e: {  	_ =	shalt  }
0x6f: {  	_ =	shalt  }
0x70: {  	_ =	shalt  }
0x71: {  	_ =	shalt  }
0x72: {  	_ =	shalt  }
0x73: {  	_ =	shalt  }
0x74: {  	_ =	shalt  }
0x75: {  	_ =	shalt  }
0x76: {  	_ =	shalt  }
0x77: {  	_ =	shalt  }
0x78: {  	_ =	shalt  }
0x79: {  	_ =	shalt  }
0x7a: {  	_ =	shalt  }
0x7b: {  	_ =	shalt  }
0x7c: {  	_ =	shalt  }
0x7d: {  	_ =	shalt  }
0x7e: {  	_ =	shalt  }
0x7f: {  	_ =	shalt  }
0x80: {  	_ =	shalt  }
0x81: {  	_ =	shalt  }
0x82: {  	_ =	shalt  }
0x83: {  	_ =	shalt  }
0x84: {  	_ =	shalt  }
0x85: {  	_ =	shalt  }
0x86: {  	_ =	shalt  }
0x87: {  	_ =	shalt  }
.Lfunc_end0:
.L_simem_size_0:
called_computation.6_lowered:
.L_overlay_start_0:
0x88: {  	s2 =	sld [smem:$0x3FD9]  }
0x89: {  	s3 =	sld [smem:$0x3FFE];
	_ =	sdelay $0x1  }
0x8a: {  	s1 =	srdreg.scid  }
0x8b: {  	s0 =	sand.u32 $0x1, s1  }
0x8c: {  	s17 =	sshll.u32 s0, $0xA;
	s2 =	sadd.s32 s3, s2  }
0x8d: {  	s2 =	sadd.s32 s2, s17  }
0x8e: {  	[smem:$0x3FC1] =	sst s2  }
0x8f: {  	_ = 	snop  }
0x90: {  	(tm) =	ssettm $0x1  }
0x91: {  	s18 =	sld [smem:$0x3FFB];
	_ =	sdelay $0x3  }
0x92: {  	_ =	strace s18  }
0x93: {  	s2 =	sld [smem:$0x3FFC];
	_ =	sdelay $0x3  }
0x94: {  	_ =	strace s2  }
0x95: {  	s2 =	sld [smem:$0x3FFD];
	_ =	sdelay $0x3  }
0x96: {  	_ =	strace s2  }
0x97: {  	_ =	strace $0x8FFFFFFF  }
0x98: {  	s19 =	sld [smem:$0x3FDB];
	_ =	sdelay $0x1  }
0x99: {  	s20 =	simm.s32 $_scs_section_size  }
0x9a: {  	s4 =	simm.s32 $_size__tile_overlayer_lowered;
	s5 =	simm.s32 $_tile_overlayer_lowered  }
0x9b: {  	s6 =	simm.s32 $0x1BFF;
	s21 =	sshll.u32 s5, $0x1;
	s3 =	sadd.s32 s20, s19  }
0x9c: {  	s22 =	simm.s32 $0x0;
	s4 =	sshll.u32 s4, $0x1;
	s5 =	sadd.s32 s21, s3  }
0x9d: {  	[timem:s22], [sflag:s6] =	dma.local [hbm:s5], s4  }
0x9e: {  	_ =	swait.ge [sflag:s6], s4  }
0x9f: {  	s4 =	ssub.s32 $0x0, s4;
	[sflag:s6] =	ssyncset.done $0x0  }
0xa0: {  	[sflag:s6] =	ssyncadd.s32 s4;
	_ =	sdelay $0x1  }
0xa1: {  	s23 =	simm.s32 $0x1B8B  }
0xa2: {  	_ =	swait.ge [sflag:s23], $0x1  }
0xa3: {  	[sflag:s23] =	ssyncset.done $0x0  }
0xa4: {  	[sflag:s23] =	ssyncadd.s32 $0xFFFFFFFF  }
0xa5: {  	s4 =	sld [smem:$0x0]  }
0xa6: {  	s5 =	sand.u32 $0xFFFFFFFE, s1  }
0xa7: {  	p0 =	sne.s32 s1, s5  }
0xa8: {  	s5 =	sshll.u32 @p0 s5, $0xE  }
0xa9: {  	s5 =	sadd.s32 @p0 $0x11B8D, s5;
	s6 =	sshll.u32 @p0 s4, $0x11  }
0xaa: {  	s5 =	sor.u32 @p0 s6, s5  }
0xab: {  	[sflag:s5] =	ssyncadd.remote.s32 @p0 $0x1;
	_ =	sdelay $0x1  }
0xac: {  	s5 =	simm.s32 @p0 $0x1B8D  }
0xad: {  	_ =	swait.eq @p0 [sflag:s5], $0x1  }
0xae: {  	[sflag:s5] =	ssyncadd.s32 @p0 $0xFFFFFFFF  }
0xaf: {  	s6 =	sshll.u32 @!p0 s1, $0xE  }
0xb0: {  	s6 =	sor.u32 @!p0 $0x4000, s6;
	s5 =	simm.s32 @!p0 $0x1B8D  }
0xb1: {  	s4 =	sshll.u32 @!p0 s4, $0x11;
	s6 =	sadd.s32 @!p0 $0x11B8D, s6;
	_ =	swait.eq @!p0 [sflag:s5], $0x1  }
0xb2: {  	s4 =	sor.u32 @!p0 s4, s6;
	[sflag:s5] =	ssyncadd.s32 @!p0 $0xFFFFFFFF  }
0xb3: {  	s25 =	simm.s32 $0x1B8E;
	s24 =	sld [smem:$0x3FFE];
	[sflag:s4] =	ssyncadd.remote.s32 @!p0 $0x1  }
0xb4: {  	s26 =	simm.s32 $execute0_lowered;
	[smem:$0x3FD2] =	sst s25  }
0xb5: {  	s5 =	sshll.u32 s26, $0x1;
	_ =	strace $0x80000058;
	[dreg:$0x1] =	wrdreg $0xFFFFFFFF  }
0xb6: {  	s28 =	simm.s32 $_size_execute0_lowered;
	s3 =	sadd.s32 s3, s5;
	[dreg:$0x0] =	wrdreg $0x0  }
0xb7: {  	s5 =	sshll.u32 s28, $0x1;
	[dreg:$0x2] =	wrdreg s3  }
0xb8: {  	[dreg:$0x3] =	wrdreg s5  }
0xb9: {  	[dreg:$0x4] =	wrdreg $0xC0  }
0xba: {  	_ =	task [dreg:s22], $0x5FFFF  }
0xbb: {  	[dreg:$0x1] =	wrdreg $0xFFFFFFFF  }
0xbc: {  	[dreg:$0x0] =	wrdreg $0x60  }
0xbd: {  	[dreg:$0x2] =	wrdreg s24  }
0xbe: {  	[dreg:$0x3] =	wrdreg $0xA  }
0xbf: {  	_ =	task.clear_ibuf [dreg:s22], $0x4FFFF;
	_ =	strace $0x90000058  }
0xc0: {  	s29 =	simm.s32 $0xA;
	_ =	strace $0x8000005A  }
0xc1: {  	_ =	swait.ge [sflag:s29], $0x1  }
0xc2: {  	[sflag:s29] =	ssyncadd.s32 $0xFFFFFFFF  }
0xc3: {  	_ =	strace $0x9000005A  }
0xc4: {  	_ =	sfence  }
0xc5: {  	s30 =	sld [smem:$0x0];
	_ =	sdelay $0x2  }
0xc6: {  	s31 =	sshll.u32 s1, $0xD;
	s1 =	sshrl.u32 s1, $0x2  }
0xc7: {  	s4 =	sand.u32 $0x4000, s31;
	s1 =	sadd.s32 s1, s30  }
0xc8: {  	s0 =	sor.u32 s4, s0;
	s1 =	sshll.u32 s1, $0x11  }
0xc9: {  	s0 =	sor.u32 s1, s0  }
0xca: {  	s0 =	sadd.s32 $0x8F2B, s0  }
0xcb: {  	[sflag:s0] =	ssyncadd.remote.s32 $0x1  }
0xcc: {  	_ =	sfence.sel $0xFFFF  }
0xcd: {  	[dreg:$0x0] =	wrdreg $0xFFFFFFFF;
	(pc) =	sbr.abs _section_cstart, $3  }
0xce: {  	[dreg:$0x1] =	wrdreg $0xFFFFFFFF  }
0xcf: {  	_ =	task.clear_ibuf [dreg:s22], $0x2FFFF;
	_ =	strace $0x9FFFFFFF  }
0xd0: {  	(tm) =	ssettm $0x7FFFFFFF  }
0xd1: {  	_ =	shalt  }
tec
execute0_lowered:
.L_overlay_start_1:
0x0: {  	(tag) =	ssettag $0x1  }
0x1: {  	s0 =	srdreg.scid  }
0x2: {  	s1 =	sshll.u32 s0, $0x4  }
0x3: {  	s0 =	stileid.u32;
	s1 =	sand.u32 $0x10, s1  }
0x4: {  	s2 =	sor.u32 s0, s1  }
0x5: {  	s1 =	smin.u32 s2, $0x1C  }
0x6: {  	s1 =	sadd.s32 s2, s1  }
0x7: {  	p0 =	slt.u32 s2, $0x1C;
	s2 =	simm.s32 $0x190;
	s1 =	smul.u32 $0xC8, s1  }
0x8: {  	s2 =	simm.s32 @!p0 $0xC8  }
0x9: {  	s2 =	sadd.s32 s2, s1  }
0xa: {  	s3 =	smin.u32 s2, $0x2EE0  }
0xb: {  	s7 =	ssub.s32 s3, s1  }
0xc: {  	p0 =	sgt.s32 s7, $0x0  }
0xd: {  	s7 =	simm.s32 @!p0 $0x0  }
0xe: {  	s31 =	sand.u32 $0xFFF8, s7  }
0xf: {  	s2 =	sshrl.u32 s31, $0x3  }
0x10: {  	s2 =	smul.u32 $0x147B, s2  }
0x11: {  	s9 =	rddreg [dreg:$0x0];
	s6 =	simm.s32 $0x1;
	s11 =	simm.s32 $0x3  }
0x12: {  	s13 =	simm.s32 $0x0;
	s12 =	simm.s32 $0x0;
	s8 =	sshrl.u32 s2, $0x11  }
0x13: {  	s4 =	sadd.s32 $0x71200, s9;
	s5 =	sadd.s32 $0xB5E00, s9;
	s10 =	smul.u32 $0xC8, s8  }
.Ltmp0:
0x14: {  	s9 =	sadd.s32 $0xB6400, s9;
	s2 =	rddreg [dreg:$0x1];
	(pc) =	sbr.rel .LBB2_1-.Ltmp0, $4  }
0x15: {  	_ =	strace $0x80000059;
	p0 =	sne.s32 s7, s10;
	s10 =	simm.s32 $0x1  }
0x16: {  	[sflag:s6] =	ssyncpa.u1 $0x0;
	s7 =	simm.s32 $0x2;
	s10 =	simm.s32 @!p0 $0x0  }
0x17: {  	[sflag:s7] =	ssyncpa.u1 $0x0;
	p0 =	por $0x0, $0x0;
	s8 =	sadd.s32 s8, s10  }
0x18: {  	v0 =	vimm.s32 $0x0;
	vm0 =	vmmov $0xff;
	vm1 =	vcmask $0x3F20;
	[sflag:s11] =	ssyncpa.u1 $0x0;
	s11 =	smov.u32 s1;
	s10 =	sadd.s32 $0x1, s8  }
.LBB2_6:
0x19: {  	[hbm:s17] =	stream.linear.scatter [tilespmem:s14], [sflag:$0x3], $0x400, $0x38;
	[tilespmem:$0xC990] =	vst v63  }
.LBB2_7:
0x1a: {  	s13 =	sadd.s32 $0xC8, s11  }
0x1b: {  	s15 =	smov.u32 s1;
	p2 =	slt.s32 s13, s3  }
0x1c: {  	s15 =	smov.u32 @p2 s13;
	p2 =	sne.s32 s12, s10  }
.Ltmp1:
0x1d: {  	p1 =	slt.u32 s12, $0x2;
	(pc) =	sbr.rel @!p2 .LBB2_8-.Ltmp1, $4  }
0x1e: {  	s14 =	simm.s32 @!p1 $0x3  }
0x1f: {  	s16 =	sadd.s32 $0x1, s12;
	_ =	swait.ge @!p1 [sflag:s14], $0x6400  }
0x20: {  	p0 =	por !p0, !p0;
	s13 =	smov.u32 s11;
	[sflag:s14] =	ssyncset.done @!p1 $0x0  }
0x21: {  	s12 =	smov.u32 s16;
	s11 =	smov.u32 s15;
	[sflag:s14] =	ssyncadd.s32 @!p1 $0xFFFF9C00  }
.LBB2_1:
0x22: {  	p1 =	sge.u32 s12, s8  }
0x23: {  	s14 =	sxor.u32 @!p1 $0xFFFFFFFF, s12  }
0x24: {  	s14 =	sand.u32 @!p1 $0x1, s14  }
0x25: {  	s14 =	smul.u32 @!p1 $0x320, s14  }
0x26: {  	s31 =	sadd.s32 $0xFFFFFFFF, s12;
	s15 =	sshrl.u32 @!p1 s11, $0x3  }
0x27: {  	s16 =	sand.u32 @!p1 $0x7, s11;
	s15 =	sadd.s32 @!p1 s5, s15;
	s14 =	sshrl.u32 @!p1 s14, $0x2  }
0x28: {  	[tilespmem:s14], [sflag:$0x2] =	stream.linear.gather @!p1 [hbm4b:s15+s16], $0xC8, $0x38;
	[tilespmem:$0xC990] =	vst v63  }
0x29: {  	p1 =	sge.u32 s31, s8  }
.Ltmp2:
0x2a: {  	_ = 	snop;
	(pc) =	sbr.rel @p1 .LBB2_7-.Ltmp2, $1  }
0x2b: {  	_ =	sdelay $0x3  }
0x2c: {  	s14 =	simm.s32 $0x1  }
0x2d: {  	s14 =	simm.s32 @!p0 $0x0  }
0x2e: {  	s15 =	smul.u32 $0x320, s14  }
0x2f: {  	_ =	swait.ge [sflag:s7], $0xC8  }
0x30: {  	[sflag:s7] =	ssyncset.done $0x0;
	s17 =	sshrl.u32 s15, $0x2  }
0x31: {  	[sflag:s7] =	ssyncadd.s32 $0xFFFFFF38;
	s15 =	sadd.s32 $0x0, s17  }
0x32: {  	v1 =	vld.msk [tilespmem:s15+$0x0 ss:$0x1], $0xffff;
	_ =	sdelay $0x4  }
0x33: {  	v2 =	vand.u32 $0x1, v1;
	v3 =	vshll.u32 v1, $0x6  }
0x34: {  	vm2 =	veq.s32 v1, $0x80000000;
	vm3 =	veq.s32 v2, $0x1;
	v1 =	vand.u32 $0xFFF80, v3  }
0x35: {  	v2 =	vsel vm3, $0xBB800, v0;
	v1 =	vsel vm2, $0xFFFFFF80, v1  }
0x36: {  	v2 =	vsel vm2, $0xFFF44800, v2;
	v3 =	vand.u32 $0xFFFFFC00, v1  }
0x37: {  	v1 =	vand.u32 $0x380, v1;
	v2 =	vadd.s32 v2, v3  }
0x38: {  	v1 =	vor.u32 v1, v2  }
0x39: {  	v1 =	vshrl.u32 v1, $0x3  }
0x3a: {  	s14 =	smul.u32 $0x19000, s14  }
0x3b: {  	s31 =	sand.u32 $0x1, s12  }
0x3c: {  	s16 =	smul.u32 $0x320, s31;
	s14 =	sshrl.u32 s14, $0x2  }
0x3d: {  	s19 =	smul.u32 $0x19000, s31;
	s14 =	sor.u32 $0x190, s14  }
0x3e: {  	[tilespmem:s14], [sflag:$0x1] =	stream.indirect_vreg.gather [hbm:s4], $0x80, v1, vm0, $0x38;
	[tilespmem:$0xC990] =	vst v63  }
0x3f: {  	s18 =	sshrl.u32 s16, $0x2;
	s20 =	sadd.s32 $0x10, s17;
	s15 =	sadd.s32 $0x400, s14  }
0x40: {  	[tilespmem:s15], [sflag:$0x1] =	stream.indirect_vreg.gather [hbm:s4], $0x80, v1, vm1, $0x38;
	[tilespmem:$0xC990] =	vst v63  }
0x41: {  	s16 =	sshrl.u32 s19, $0x2;
	s19 =	smov.u32 s14;
	v1 =	vld.msk [tilespmem:s20+$0x0 ss:$0x1], $0xffff;
	s20 =	simm.s32 $0x80  }
.LBB2_3:
0x42: {  	p1 =	sne.s32 s20, $0x2C0;
	_ =	sdelay $0x4  }
0x43: {  	v2 =	vand.u32 $0x1, v1;
	v3 =	vshll.u32 v1, $0x6  }
0x44: {  	vm2 =	veq.s32 v1, $0x80000000;
	vm3 =	veq.s32 v2, $0x1;
	v1 =	vand.u32 $0xFFF80, v3  }
0x45: {  	v2 =	vsel vm3, $0xBB800, v0;
	v1 =	vsel vm2, $0xFFFFFF80, v1  }
0x46: {  	v2 =	vsel vm2, $0xFFF44800, v2;
	v3 =	vand.u32 $0xFFFFFC00, v1  }
0x47: {  	v1 =	vand.u32 $0x380, v1;
	v2 =	vadd.s32 v2, v3  }
0x48: {  	v1 =	vor.u32 v1, v2  }
0x49: {  	v1 =	vshrl.u32 v1, $0x3;
	_ =	sdelay $0x3  }
.Ltmp3:
0x4a: {  	s21 =	sshra.s32 s20, $0x2;
	s19 =	sadd.s32 $0x800, s19;
	(pc) =	sbr.rel @p1 .LBB2_3-.Ltmp3, $4  }
0x4b: {  	[tilespmem:s19], [sflag:$0x1] =	stream.indirect_vreg.gather [hbm:s4], $0x80, v1, vm0, $0x38;
	[tilespmem:$0xC990] =	vst v63  }
0x4c: {  	s21 =	sadd.s32 s21, s17;
	s22 =	sadd.s32 $0x400, s19  }
0x4d: {  	[tilespmem:s22], [sflag:$0x1] =	stream.indirect_vreg.gather [hbm:s4], $0x80, v1, vm1, $0x38;
	[tilespmem:$0xC990] =	vst v63  }
0x4e: {  	s20 =	sadd.s32 $0x40, s20;
	v1 =	vld.msk [tilespmem:s21+$0x0 ss:$0x1], $0xffff  }
0x4f: {  	_ =	sdelay $0x3  }
0x50: {  	v2 =	vand.u32 $0x1, v1;
	v3 =	vshll.u32 v1, $0x6  }
0x51: {  	vm2 =	veq.s32 v1, $0x80000000;
	vm3 =	veq.s32 v2, $0x1;
	v1 =	vand.u32 $0xFFF80, v3  }
0x52: {  	v2 =	vsel vm3, $0xBB800, v0;
	v1 =	vsel vm2, $0xFFFFFF80, v1  }
0x53: {  	v2 =	vsel vm2, $0xFFF44800, v2;
	v3 =	vand.u32 $0xFFFFFC00, v1  }
0x54: {  	v1 =	vand.u32 $0x380, v1;
	v2 =	vadd.s32 v2, v3  }
0x55: {  	v1 =	vor.u32 v1, v2  }
0x56: {  	v1 =	vshrl.u32 v1, $0x3;
	_ =	sdelay $0x3  }
0x57: {  	s17 =	sadd.s32 $0x800, s19  }
0x58: {  	[tilespmem:s17], [sflag:$0x1] =	stream.indirect_vreg.gather [hbm:s4], $0x80, v1, vm0, $0x38;
	[tilespmem:$0xC990] =	vst v63  }
0x59: {  	s17 =	sadd.s32 $0x400, s17  }
0x5a: {  	[tilespmem:s17], [sflag:$0x1] =	stream.indirect_vreg.gather [hbm:s4], $0x80, v1, vm1, $0x38;
	[tilespmem:$0xC990] =	vst v63  }
0x5b: {  	v1 =	vld.msk [tilespmem:s18+$0xC0 ss:$0x1], $0xff;
	_ =	sdelay $0x4  }
0x5c: {  	v2 =	vand.u32 $0x1, v1;
	v3 =	vshll.u32 v1, $0x6  }
0x5d: {  	vm2 =	veq.s32 v1, $0x80000000;
	vm3 =	veq.s32 v2, $0x1;
	v1 =	vand.u32 $0xFFF80, v3  }
0x5e: {  	v2 =	vsel vm3, $0xBB800, v0;
	v1 =	vsel vm2, $0xFFFFFF80, v1  }
0x5f: {  	v2 =	vsel vm2, $0xFFF44800, v2;
	v3 =	vand.u32 $0xFFFFFC00, v1  }
0x60: {  	v1 =	vand.u32 $0x380, v1;
	v2 =	vadd.s32 v2, v3  }
0x61: {  	v1 =	vor.u32 v1, v2  }
0x62: {  	v1 =	vshrl.u32 v1, $0x3;
	_ =	sdelay $0x3  }
0x63: {  	s16 =	sadd.s32 $0x6190, s16  }
0x64: {  	[tilespmem:s16], [sflag:$0x1] =	stream.indirect_vreg.gather [hbm:s4], $0x80, v1, vm0, $0x38;
	[tilespmem:$0xC990] =	vst v63  }
0x65: {  	s13 =	sshll.u32 s13, $0x4;
	_ =	swait.ge [sflag:s6], $0x6400  }
0x66: {  	s13 =	sadd.s32 s13, s9;
	[sflag:s6] =	ssyncset.done $0x0  }
0x67: {  	s17 =	sadd.s32 $0x0, s13;
	s16 =	simm.s32 $0x80;
	[sflag:s6] =	ssyncadd.s32 $0xFFFF9C00  }
.LBB2_5:
0x68: {  	[hbm:s17] =	stream.linear.scatter [tilespmem:s14], [sflag:$0x3], $0x400, $0x38;
	[tilespmem:$0xC990] =	vst v63  }
0x69: {  	s17 =	smov.u32 s16;
	s14 =	smov.u32 s15;
	p1 =	sne.s32 s16, $0xC00  }
.Ltmp4:
0x6a: {  	s16 =	sadd.s32 $0x80, s16;
	(pc) =	sbr.rel @p1 .LBB2_5-.Ltmp4, $2  }
0x6b: {  	_ =	sdelay $0x2  }
0x6c: {  	s15 =	sadd.s32 $0x400, s15;
	s17 =	sadd.s32 s17, s13  }
.Ltmp5:
0x6d: {  	_ = 	snop;
	(pc) =	sbr.rel .LBB2_6-.Ltmp5, $1  }
0x6e: {  	_ =	sdelay $0x3  }
.LBB2_8:
0x6f: {  	_ =	sfence.sel $0x180000  }
0x70: {  	s1 =	simm.s32 $0x2;
	[bflag:$0x0] =	sbarrier.arrive $0xFFFF  }
0x71: {  	s30 =	simm.s32 $0x3;
	[sflag:s1] =	ssyncpa.u1 $0x1  }
0x72: {  	s31 =	simm.s32 $0x1;
	[sflag:s30] =	ssyncpa.u1 $0x1  }
0x73: {  	[sflag:s31] =	ssyncpa.u1 $0x1  }
0x74: {  	p0 =	sne.s32 s0, $0x0;
	_ =	strace $0x90000059  }
0x75: {  	s0 =	sadd.s32 @!p0 $0x100000, s2;
	[bflag:$0x2] =	sbarrier.arrive $0xFFFF  }
0x76: {  	[sflag:s0] =	ssyncadd.tile.s32 @!p0 $0x1;
	_ =	shalt  }
.Lfunc_end2:
_tile_overlayer_lowered:
.L_overlay_start_2:
0x77: {  	(tag) =	ssettag $0x2  }
0x78: {  	s0 =	rddreg [dreg:$0x0];
	s2 =	stileid.u32  }
0x79: {  	s1 =	rddreg [dreg:$0x1];
	p0 =	sne.s32 s2, $0x0  }
0x7a: {  	s3 =	rddreg [dreg:$0x2];
	[bflag:$0x3] =	sbarrier.arrive $0xFFFF;
	s2 =	simm.s32 @!p0 $0x1C01  }
0x7b: {  	[timem:s3], [sflag:s2] =	dma.local @!p0 [hbm:s0], s1  }
0x7c: {  	s0 =	simm.s32 @!p0 $0x1  }
0x7d: {  	_ =	swait.ge @!p0 [sflag:s0], s1  }
0x7e: {  	s1 =	ssub.s32 @!p0 $0x0, s1;
	[sflag:s0] =	ssyncset.done @!p0 $0x0  }
0x7f: {  	[sflag:s0] =	ssyncadd.s32 @!p0 s1  }
0x80: {  	[bflag:$0x3] =	sbarrier.arrive $0xFFFF  }
0x81: {  	_ =	shalt  }

// kernel: gather_offload_async_start
scs
__scs_entry_jumppad:
0x0: {  	(pc) =	sbr.rel $0x88, $3  }
0x1: {  	(tag) =	ssettag $0x0;
	lr =	simm.s32 $0x1  }
0x2: {  	[smem:$0x3F9A] =	sst lr;
	_ =	strace $0xD0000000  }
0x3: {  	_ = 	snop  }
0x4: {  	_ = 	snop  }
0x5: {  	_ = 	snop  }
0x6: {  	_ = 	snop  }
0x7: {  	_ = 	snop  }
__scs_overlays_trampoline_lowered:
0x8: {  	[smem:$0x3FA9] =	sst s0  }
0x9: {  	[smem:$0x3FAA] =	sst s1  }
0xa: {  	[smem:$0x3FAB] =	sst s2  }
0xb: {  	[smem:$0x3FAC] =	sst s3  }
0xc: {  	[smem:$0x3FAD] =	sst s4  }
0xd: {  	[smem:$0x3FAE] =	sst s5  }
0xe: {  	[smem:$0x3FAF] =	sst s6  }
0xf: {  	[smem:$0x3FB0] =	sst s7  }
0x10: {  	[smem:$0x3FB1] =	sst s8  }
0x11: {  	[smem:$0x3FB2] =	sst s9;
	s0 =	simm.s32 @!p0 $0x0  }
0x12: {  	s1 =	sld [smem:$0x3F98];
	s0 =	simm.s32 @p0 $0x1  }
0x13: {  	[smem:$0x3FB3] =	sst s0;
	s0 =	simm.s32 @!p1 $0x0  }
0x14: {  	s2 =	sld [smem:$0x3F97];
	s0 =	simm.s32 @p1 $0x1  }
0x15: {  	[smem:$0x3FB4] =	sst s0;
	s0 =	simm.s32 @!p2 $0x0  }
0x16: {  	s3 =	sld [smem:$0x3FDB];
	s0 =	simm.s32 @p2 $0x1  }
0x17: {  	s4 =	simm.s32 $0x1BF5;
	[smem:$0x3FB6] =	sst s0  }
0x18: {  	s0 =	sld [smem:$0x3F99];
	_ =	swait.ge [sflag:s4], $0x0  }
0x19: {  	s7 =	sld [smem:$0x3F9A]  }
0x1a: {  	s8 =	sadd.s32 $0xFFFFE003, lr  }
0x1b: {  	s9 =	sadd.s32 $0xFFFFFEF7, lr;
	s5 =	simm.s32 $0xFFFFFFFF;
	p2 =	slt.u32 s8, $0xFFFFF086  }
0x1c: {  	p1 =	slt.u32 s9, $0xF7A;
	s5 =	simm.s32 @!p2 $0x0  }
0x1d: {  	s5 =	simm.s32 @p1 $0x1;
	p0 =	seq.s32 s7, s2  }
0x1e: {  	s7 =	smul.u32 @!p0 $0xF7A, s2;
	p2 =	seq.s32 @!p0 s5, $0x0  }
0x1f: {  	s9 =	smul.u32 $0xF7A, s1;
	s8 =	simm.s32 @!p0 $0x1BF5;
	p2 =	por !p2, p0  }
0x20: {  	[sflag:s8] =	ssyncset.s32 @!p0 $0xFFFFF086;
	s6 =	sadd.s32 @!p0 s3, s7;
	s7 =	simm.s32 @!p0 $0x108  }
0x21: {  	s3 =	sadd.s32 s3, s9;
	s6 =	sadd.s32 @!p0 $0x88, s6;
	s7 =	simm.s32 @p2 $0x1082  }
0x22: {  	[simem:s7], [sflag:s8] =	dma.local @!p0 [hbm:s6], $0xF7A  }
0x23: {  	s9 =	sor.u32 $0xD0000000, s2;
	s6 =	simm.s32 $0x108;
	_ =	swait.ge @!p0 [sflag:s8], $0x0  }
0x24: {  	s3 =	sadd.s32 $0x88, s3;
	s6 =	simm.s32 @!p1 $0x1082;
	[sflag:s4] =	ssyncset.s32 $0xFFFFF086  }
0x25: {  	[simem:s6], [sflag:s4] =	dma.local [hbm:s3], $0xF7A  }
0x26: {  	[smem:$0x3F9A] =	sst s1;
	(tag) =	ssettag s2;
	_ =	strace s9  }
0x27: {  	s1 =	sld [smem:$0x3FAA]  }
0x28: {  	s2 =	sld [smem:$0x3FAB]  }
0x29: {  	s4 =	sld [smem:$0x3FAD]  }
0x2a: {  	p0 =	seq.s32 s5, $0x0;
	s5 =	sld [smem:$0x3FAE]  }
0x2b: {  	s6 =	sld [smem:$0x3FAF]  }
0x2c: {  	s7 =	sld [smem:$0x3FB0]  }
0x2d: {  	s3 =	simm.s32 $0x108;
	s8 =	sld [smem:$0x3FB1]  }
0x2e: {  	s3 =	simm.s32 @!p0 $0x1082;
	s9 =	sld [smem:$0x3FB2]  }
0x2f: {  	lr =	sadd.s32 s0, s3;
	s0 =	sld [smem:$0x3FA9]  }
0x30: {  	s3 =	sld [smem:$0x3FAC]  }
0x31: {  	[smem:$0x3FB5] =	sst s10  }
0x32: {  	s10 =	sld [smem:$0x3FB3];
	_ =	sdelay $0x3  }
0x33: {  	p0 =	seq.s32 s10, $0x1;
	s10 =	sld [smem:$0x3FB5];
	_ =	sdelay $0x3  }
0x34: {  	[smem:$0x3FB5] =	sst s10  }
0x35: {  	s10 =	sld [smem:$0x3FB4];
	_ =	sdelay $0x3  }
0x36: {  	p1 =	seq.s32 s10, $0x1;
	s10 =	sld [smem:$0x3FB5];
	_ =	sdelay $0x3  }
0x37: {  	[smem:$0x3FB5] =	sst s10  }
0x38: {  	s10 =	sld [smem:$0x3FB6]  }
0x39: {  	_ = 	snop;
	(pc) =	sbr.ind lr, $3  }
0x3a: {  	_ = 	snop  }
0x3b: {  	_ = 	snop  }
0x3c: {  	p2 =	seq.s32 s10, $0x1;
	s10 =	sld [smem:$0x3FB5]  }
0x3d: {  	_ =	shalt  }
0x3e: {  	_ =	shalt  }
0x3f: {  	_ =	shalt  }
0x40: {  	_ =	shalt  }
0x41: {  	_ =	shalt  }
0x42: {  	_ =	shalt  }
0x43: {  	_ =	shalt  }
0x44: {  	_ =	shalt  }
0x45: {  	_ =	shalt  }
0x46: {  	_ =	shalt  }
0x47: {  	_ =	shalt  }
0x48: {  	_ =	shalt  }
0x49: {  	_ =	shalt  }
0x4a: {  	_ =	shalt  }
0x4b: {  	_ =	shalt  }
0x4c: {  	_ =	shalt  }
0x4d: {  	_ =	shalt  }
0x4e: {  	_ =	shalt  }
0x4f: {  	_ =	shalt  }
0x50: {  	_ =	shalt  }
0x51: {  	_ =	shalt  }
0x52: {  	_ =	shalt  }
0x53: {  	_ =	shalt  }
0x54: {  	_ =	shalt  }
0x55: {  	_ =	shalt  }
0x56: {  	_ =	shalt  }
0x57: {  	_ =	shalt  }
0x58: {  	_ =	shalt  }
0x59: {  	_ =	shalt  }
0x5a: {  	_ =	shalt  }
0x5b: {  	_ =	shalt  }
0x5c: {  	_ =	shalt  }
0x5d: {  	_ =	shalt  }
0x5e: {  	_ =	shalt  }
0x5f: {  	_ =	shalt  }
0x60: {  	_ =	shalt  }
0x61: {  	_ =	shalt  }
0x62: {  	_ =	shalt  }
0x63: {  	_ =	shalt  }
0x64: {  	_ =	shalt  }
0x65: {  	_ =	shalt  }
0x66: {  	_ =	shalt  }
0x67: {  	_ =	shalt  }
0x68: {  	_ =	shalt  }
0x69: {  	_ =	shalt  }
0x6a: {  	_ =	shalt  }
0x6b: {  	_ =	shalt  }
0x6c: {  	_ =	shalt  }
0x6d: {  	_ =	shalt  }
0x6e: {  	_ =	shalt  }
0x6f: {  	_ =	shalt  }
0x70: {  	_ =	shalt  }
0x71: {  	_ =	shalt  }
0x72: {  	_ =	shalt  }
0x73: {  	_ =	shalt  }
0x74: {  	_ =	shalt  }
0x75: {  	_ =	shalt  }
0x76: {  	_ =	shalt  }
0x77: {  	_ =	shalt  }
0x78: {  	_ =	shalt  }
0x79: {  	_ =	shalt  }
0x7a: {  	_ =	shalt  }
0x7b: {  	_ =	shalt  }
0x7c: {  	_ =	shalt  }
0x7d: {  	_ =	shalt  }
0x7e: {  	_ =	shalt  }
0x7f: {  	_ =	shalt  }
0x80: {  	_ =	shalt  }
0x81: {  	_ =	shalt  }
0x82: {  	_ =	shalt  }
0x83: {  	_ =	shalt  }
0x84: {  	_ =	shalt  }
0x85: {  	_ =	shalt  }
0x86: {  	_ =	shalt  }
0x87: {  	_ =	shalt  }
.Lfunc_end0:
.L_simem_size_0:
called_computation_lowered:
.L_overlay_start_0:
0x88: {  	s2 =	sld [smem:$0x3FD9]  }
0x89: {  	s3 =	sld [smem:$0x3FFE];
	_ =	sdelay $0x1  }
0x8a: {  	s1 =	srdreg.scid  }
0x8b: {  	s0 =	sand.u32 $0x1, s1  }
0x8c: {  	s17 =	sshll.u32 s0, $0xA;
	s2 =	sadd.s32 s3, s2  }
0x8d: {  	s2 =	sadd.s32 s2, s17  }
0x8e: {  	[smem:$0x3FC1] =	sst s2  }
0x8f: {  	_ = 	snop  }
0x90: {  	(tm) =	ssettm $0x1  }
0x91: {  	s18 =	sld [smem:$0x3FFB];
	_ =	sdelay $0x3  }
0x92: {  	_ =	strace s18  }
0x93: {  	s2 =	sld [smem:$0x3FFC];
	_ =	sdelay $0x3  }
0x94: {  	_ =	strace s2  }
0x95: {  	s2 =	sld [smem:$0x3FFD];
	_ =	sdelay $0x3  }
0x96: {  	_ =	strace s2  }
0x97: {  	_ =	strace $0x8FFFFFFF  }
0x98: {  	s19 =	sld [smem:$0x3FDB];
	_ =	sdelay $0x1  }
0x99: {  	s20 =	simm.s32 $_scs_section_size  }
0x9a: {  	s4 =	simm.s32 $_size__tile_overlayer_lowered;
	s5 =	simm.s32 $_tile_overlayer_lowered  }
0x9b: {  	s6 =	simm.s32 $0x1BFF;
	s21 =	sshll.u32 s5, $0x1;
	s3 =	sadd.s32 s20, s19  }
0x9c: {  	s22 =	simm.s32 $0x0;
	s4 =	sshll.u32 s4, $0x1;
	s5 =	sadd.s32 s21, s3  }
0x9d: {  	[timem:s22], [sflag:s6] =	dma.local [hbm:s5], s4  }
0x9e: {  	_ =	swait.ge [sflag:s6], s4  }
0x9f: {  	s4 =	ssub.s32 $0x0, s4;
	[sflag:s6] =	ssyncset.done $0x0  }
0xa0: {  	[sflag:s6] =	ssyncadd.s32 s4;
	_ =	sdelay $0x1  }
0xa1: {  	s23 =	simm.s32 $0x1B8B  }
0xa2: {  	_ =	swait.ge [sflag:s23], $0x1  }
0xa3: {  	[sflag:s23] =	ssyncset.done $0x0  }
0xa4: {  	[sflag:s23] =	ssyncadd.s32 $0xFFFFFFFF  }
0xa5: {  	s4 =	sld [smem:$0x0]  }
0xa6: {  	s5 =	sand.u32 $0xFFFFFFFE, s1  }
0xa7: {  	p0 =	sne.s32 s1, s5  }
0xa8: {  	s5 =	sshll.u32 @p0 s5, $0xE  }
0xa9: {  	s5 =	sadd.s32 @p0 $0x11B8D, s5;
	s6 =	sshll.u32 @p0 s4, $0x11  }
0xaa: {  	s5 =	sor.u32 @p0 s6, s5  }
0xab: {  	[sflag:s5] =	ssyncadd.remote.s32 @p0 $0x1;
	_ =	sdelay $0x1  }
0xac: {  	s5 =	simm.s32 @p0 $0x1B8D  }
0xad: {  	_ =	swait.eq @p0 [sflag:s5], $0x1  }
0xae: {  	[sflag:s5] =	ssyncadd.s32 @p0 $0xFFFFFFFF  }
0xaf: {  	s6 =	sshll.u32 @!p0 s1, $0xE  }
0xb0: {  	s6 =	sor.u32 @!p0 $0x4000, s6;
	s5 =	simm.s32 @!p0 $0x1B8D  }
0xb1: {  	s4 =	sshll.u32 @!p0 s4, $0x11;
	s6 =	sadd.s32 @!p0 $0x11B8D, s6;
	_ =	swait.eq @!p0 [sflag:s5], $0x1  }
0xb2: {  	s4 =	sor.u32 @!p0 s4, s6;
	[sflag:s5] =	ssyncadd.s32 @!p0 $0xFFFFFFFF  }
0xb3: {  	s25 =	simm.s32 $0x1B8E;
	s24 =	sld [smem:$0x3FFE];
	[sflag:s4] =	ssyncadd.remote.s32 @!p0 $0x1  }
0xb4: {  	s26 =	simm.s32 $execute0_lowered;
	[smem:$0x3FD2] =	sst s25  }
0xb5: {  	s5 =	sshll.u32 s26, $0x1;
	_ =	strace $0x8000004C;
	[dreg:$0x1] =	wrdreg $0xFFFFFFFF  }
0xb6: {  	s28 =	simm.s32 $_size_execute0_lowered;
	s3 =	sadd.s32 s3, s5;
	[dreg:$0x0] =	wrdreg $0x0  }
0xb7: {  	s5 =	sshll.u32 s28, $0x1;
	[dreg:$0x2] =	wrdreg s3  }
0xb8: {  	[dreg:$0x3] =	wrdreg s5  }
0xb9: {  	[dreg:$0x4] =	wrdreg $0xC0  }
0xba: {  	_ =	task [dreg:s22], $0x5FFFF  }
0xbb: {  	[dreg:$0x1] =	wrdreg $0xFFFFFFFF  }
0xbc: {  	[dreg:$0x0] =	wrdreg $0x60  }
0xbd: {  	[dreg:$0x2] =	wrdreg s24  }
0xbe: {  	[dreg:$0x3] =	wrdreg $0x9  }
0xbf: {  	_ =	task.clear_ibuf [dreg:s22], $0x4FFFF;
	_ =	strace $0x9000004C  }
0xc0: {  	s29 =	simm.s32 $0x9;
	_ =	strace $0x8000004E  }
0xc1: {  	_ =	swait.ge [sflag:s29], $0x1  }
0xc2: {  	[sflag:s29] =	ssyncadd.s32 $0xFFFFFFFF  }
0xc3: {  	_ =	strace $0x9000004E  }
0xc4: {  	_ =	sfence  }
0xc5: {  	s30 =	sld [smem:$0x0];
	_ =	sdelay $0x2  }
0xc6: {  	s31 =	sshll.u32 s1, $0xD;
	s1 =	sshrl.u32 s1, $0x2  }
0xc7: {  	s4 =	sand.u32 $0x4000, s31;
	s1 =	sadd.s32 s1, s30  }
0xc8: {  	s0 =	sor.u32 s4, s0;
	s1 =	sshll.u32 s1, $0x11  }
0xc9: {  	s0 =	sor.u32 s1, s0  }
0xca: {  	s0 =	sadd.s32 $0x8F2B, s0  }
0xcb: {  	[sflag:s0] =	ssyncadd.remote.s32 $0x1  }
0xcc: {  	_ =	sfence.sel $0xFFFF  }
0xcd: {  	[dreg:$0x0] =	wrdreg $0xFFFFFFFF;
	(pc) =	sbr.abs _section_cstart, $3  }
0xce: {  	[dreg:$0x1] =	wrdreg $0xFFFFFFFF  }
0xcf: {  	_ =	task.clear_ibuf [dreg:s22], $0x2FFFF;
	_ =	strace $0x9FFFFFFF  }
0xd0: {  	(tm) =	ssettm $0x7FFFFFFF  }
0xd1: {  	_ =	shalt  }
tec
execute0_lowered:
.L_overlay_start_1:
0x0: {  	(tag) =	ssettag $0x1  }
0x1: {  	s0 =	srdreg.scid  }
0x2: {  	s1 =	sshll.u32 s0, $0x4  }
0x3: {  	s0 =	stileid.u32;
	s1 =	sand.u32 $0x10, s1  }
0x4: {  	s1 =	sor.u32 s0, s1  }
0x5: {  	s2 =	smin.u32 s1, $0x12  }
0x6: {  	s2 =	sadd.s32 s1, s2  }
0x7: {  	p0 =	slt.u32 s1, $0x12;
	s1 =	simm.s32 $0xA0;
	s2 =	smul.u32 $0x50, s2  }
0x8: {  	s1 =	simm.s32 @!p0 $0x50  }
0x9: {  	s1 =	sadd.s32 s1, s2  }
0xa: {  	s3 =	smin.u32 s1, $0xFA0  }
0xb: {  	s7 =	ssub.s32 s3, s2  }
0xc: {  	p0 =	sgt.s32 s7, $0x0  }
0xd: {  	s7 =	simm.s32 @!p0 $0x0  }
0xe: {  	s31 =	smul.u32 $0xCCCD, s7  }
0xf: {  	s9 =	rddreg [dreg:$0x0];
	s6 =	simm.s32 $0x1;
	s11 =	simm.s32 $0x3  }
0x10: {  	s13 =	simm.s32 $0x0;
	s12 =	simm.s32 $0x0;
	s8 =	sshrl.u32 s31, $0x16  }
0x11: {  	s4 =	sadd.s32 $0x42600, s9;
	s5 =	sadd.s32 $0x42400, s9;
	s10 =	smul.u32 $0x50, s8  }
.Ltmp0:
0x12: {  	s9 =	sadd.s32 $0x72600, s9;
	s1 =	rddreg [dreg:$0x1];
	(pc) =	sbr.rel .LBB2_1-.Ltmp0, $4  }
0x13: {  	_ =	strace $0x8000004D;
	p0 =	sne.s32 s7, s10;
	s10 =	simm.s32 $0x1  }
0x14: {  	[sflag:s6] =	ssyncpa.u1 $0x0;
	s7 =	simm.s32 $0x2;
	s10 =	simm.s32 @!p0 $0x0  }
0x15: {  	[sflag:s7] =	ssyncpa.u1 $0x0;
	p0 =	por $0x0, $0x0;
	s8 =	sadd.s32 s8, s10  }
0x16: {  	vm0 =	vmmov $0xff;
	vm1 =	vcmask $0x3F20;
	[sflag:s11] =	ssyncpa.u1 $0x0;
	s11 =	smov.u32 s2;
	s10 =	sadd.s32 $0x1, s8  }
.LBB2_6:
0x17: {  	[hbm:s17] =	stream.linear.scatter [tilespmem:s14], [sflag:$0x3], $0x400, $0x38;
	[tilespmem:$0x50A0] =	vst v63  }
.LBB2_7:
0x18: {  	s13 =	sadd.s32 $0x50, s11  }
0x19: {  	s15 =	smov.u32 s2;
	p2 =	slt.s32 s13, s3  }
0x1a: {  	s15 =	smov.u32 @p2 s13;
	p2 =	sne.s32 s12, s10  }
.Ltmp1:
0x1b: {  	p1 =	slt.u32 s12, $0x2;
	(pc) =	sbr.rel @!p2 .LBB2_8-.Ltmp1, $4  }
0x1c: {  	s14 =	simm.s32 @!p1 $0x3  }
0x1d: {  	s16 =	sadd.s32 $0x1, s12;
	_ =	swait.ge @!p1 [sflag:s14], $0x2800  }
0x1e: {  	p0 =	por !p0, !p0;
	s13 =	smov.u32 s11;
	[sflag:s14] =	ssyncset.done @!p1 $0x0  }
0x1f: {  	s12 =	smov.u32 s16;
	s11 =	smov.u32 s15;
	[sflag:s14] =	ssyncadd.s32 @!p1 $0xFFFFD800  }
.LBB2_1:
0x20: {  	p1 =	sge.u32 s12, s8  }
0x21: {  	s14 =	sxor.u32 @!p1 $0xFFFFFFFF, s12  }
0x22: {  	s14 =	sand.u32 @!p1 $0x1, s14  }
0x23: {  	s14 =	smul.u32 @!p1 $0x140, s14  }
0x24: {  	s31 =	sadd.s32 $0xFFFFFFFF, s12;
	s15 =	sshrl.u32 @!p1 s11, $0x3  }
0x25: {  	s16 =	sand.u32 @!p1 $0x7, s11;
	s15 =	sadd.s32 @!p1 s5, s15;
	s14 =	sshrl.u32 @!p1 s14, $0x2  }
0x26: {  	[tilespmem:s14], [sflag:$0x2] =	stream.linear.gather @!p1 [hbm4b:s15+s16], $0x50, $0x38;
	[tilespmem:$0x50A0] =	vst v63  }
0x27: {  	p1 =	sge.u32 s31, s8  }
.Ltmp2:
0x28: {  	_ = 	snop;
	(pc) =	sbr.rel @p1 .LBB2_7-.Ltmp2, $1  }
0x29: {  	_ =	sdelay $0x3  }
0x2a: {  	s14 =	simm.s32 $0x1  }
0x2b: {  	s14 =	simm.s32 @!p0 $0x0  }
0x2c: {  	s15 =	smul.u32 $0x140, s14  }
0x2d: {  	_ =	swait.ge [sflag:s7], $0x50  }
0x2e: {  	[sflag:s7] =	ssyncset.done $0x0;
	s16 =	sshrl.u32 s15, $0x2  }
0x2f: {  	[sflag:s7] =	ssyncadd.s32 $0xFFFFFFB0;
	s15 =	sadd.s32 $0x0, s16  }
0x30: {  	v0 =	vld.msk [tilespmem:s15+$0x0 ss:$0x1], $0xffff;
	_ =	sdelay $0x4  }
0x31: {  	vm2 =	vgt.s32 v0, $0x0  }
0x32: {  	v0 =	vnsel vm2, $0x0, v0  }
0x33: {  	v0 =	vmin.u32 v0, $0x2FFF  }
0x34: {  	v0 =	vshll.u32 v0, $0x4  }
0x35: {  	s14 =	smul.u32 $0xA000, s14;
	_ =	sdelay $0x1  }
0x36: {  	s14 =	sshrl.u32 s14, $0x2  }
0x37: {  	s14 =	sor.u32 $0xA0, s14  }
0x38: {  	[tilespmem:s14], [sflag:$0x1] =	stream.indirect_vreg.gather [hbm:s4], $0x80, v0, vm0, $0x38;
	[tilespmem:$0x50A0] =	vst v63  }
0x39: {  	s17 =	sadd.s32 $0x10, s16;
	s15 =	sadd.s32 $0x400, s14  }
0x3a: {  	[tilespmem:s15], [sflag:$0x1] =	stream.indirect_vreg.gather [hbm:s4], $0x80, v0, vm1, $0x38;
	[tilespmem:$0x50A0] =	vst v63  }
0x3b: {  	s18 =	simm.s32 $0x80;
	v0 =	vld.msk [tilespmem:s17+$0x0 ss:$0x1], $0xffff;
	s17 =	smov.u32 s14  }
.LBB2_3:
0x3c: {  	p1 =	sne.s32 s18, $0x100;
	_ =	sdelay $0x4  }
0x3d: {  	vm2 =	vgt.s32 v0, $0x0  }
0x3e: {  	v0 =	vnsel vm2, $0x0, v0  }
0x3f: {  	v0 =	vmin.u32 v0, $0x2FFF  }
0x40: {  	v0 =	vshll.u32 v0, $0x4;
	_ =	sdelay $0x3  }
.Ltmp3:
0x41: {  	s19 =	sshra.s32 s18, $0x2;
	s17 =	sadd.s32 $0x800, s17;
	(pc) =	sbr.rel @p1 .LBB2_3-.Ltmp3, $4  }
0x42: {  	[tilespmem:s17], [sflag:$0x1] =	stream.indirect_vreg.gather [hbm:s4], $0x80, v0, vm0, $0x38;
	[tilespmem:$0x50A0] =	vst v63  }
0x43: {  	s19 =	sadd.s32 s19, s16;
	s20 =	sadd.s32 $0x400, s17  }
0x44: {  	[tilespmem:s20], [sflag:$0x1] =	stream.indirect_vreg.gather [hbm:s4], $0x80, v0, vm1, $0x38;
	[tilespmem:$0x50A0] =	vst v63  }
0x45: {  	s18 =	sadd.s32 $0x40, s18;
	v0 =	vld.msk [tilespmem:s19+$0x0 ss:$0x1], $0xffff  }
0x46: {  	_ =	sdelay $0x3  }
0x47: {  	vm2 =	vgt.s32 v0, $0x0  }
0x48: {  	v0 =	vnsel vm2, $0x0, v0  }
0x49: {  	v0 =	vmin.u32 v0, $0x2FFF  }
0x4a: {  	v0 =	vshll.u32 v0, $0x4;
	_ =	sdelay $0x3  }
0x4b: {  	s16 =	sadd.s32 $0x800, s17  }
0x4c: {  	[tilespmem:s16], [sflag:$0x1] =	stream.indirect_vreg.gather [hbm:s4], $0x80, v0, vm0, $0x38;
	[tilespmem:$0x50A0] =	vst v63  }
0x4d: {  	s16 =	sadd.s32 $0x400, s16  }
0x4e: {  	[tilespmem:s16], [sflag:$0x1] =	stream.indirect_vreg.gather [hbm:s4], $0x80, v0, vm1, $0x38;
	[tilespmem:$0x50A0] =	vst v63  }
0x4f: {  	s13 =	sshll.u32 s13, $0x4;
	_ =	swait.ge [sflag:s6], $0x2800  }
0x50: {  	s13 =	sadd.s32 s13, s9;
	[sflag:s6] =	ssyncset.done $0x0  }
0x51: {  	s17 =	sadd.s32 $0x0, s13;
	s16 =	simm.s32 $0x80;
	[sflag:s6] =	ssyncadd.s32 $0xFFFFD800  }
.LBB2_5:
0x52: {  	[hbm:s17] =	stream.linear.scatter [tilespmem:s14], [sflag:$0x3], $0x400, $0x38;
	[tilespmem:$0x50A0] =	vst v63  }
0x53: {  	s17 =	smov.u32 s16;
	s14 =	smov.u32 s15;
	p1 =	sne.s32 s16, $0x480  }
.Ltmp4:
0x54: {  	s16 =	sadd.s32 $0x80, s16;
	(pc) =	sbr.rel @p1 .LBB2_5-.Ltmp4, $2  }
0x55: {  	_ =	sdelay $0x2  }
0x56: {  	s15 =	sadd.s32 $0x400, s15;
	s17 =	sadd.s32 s17, s13  }
.Ltmp5:
0x57: {  	_ = 	snop;
	(pc) =	sbr.rel .LBB2_6-.Ltmp5, $1  }
0x58: {  	_ =	sdelay $0x3  }
.LBB2_8:
0x59: {  	_ =	sfence.sel $0x180000  }
0x5a: {  	s2 =	simm.s32 $0x2;
	[bflag:$0x0] =	sbarrier.arrive $0xFFFF  }
0x5b: {  	s30 =	simm.s32 $0x3;
	[sflag:s2] =	ssyncpa.u1 $0x1  }
0x5c: {  	s31 =	simm.s32 $0x1;
	[sflag:s30] =	ssyncpa.u1 $0x1  }
0x5d: {  	[sflag:s31] =	ssyncpa.u1 $0x1  }
0x5e: {  	p0 =	sne.s32 s0, $0x0;
	_ =	strace $0x9000004D  }
0x5f: {  	s0 =	sadd.s32 @!p0 $0x100000, s1;
	[bflag:$0x2] =	sbarrier.arrive $0xFFFF  }
0x60: {  	[sflag:s0] =	ssyncadd.tile.s32 @!p0 $0x1;
	_ =	shalt  }
.Lfunc_end2:
_tile_overlayer_lowered:
.L_overlay_start_2:
0x61: {  	(tag) =	ssettag $0x2  }
0x62: {  	s0 =	rddreg [dreg:$0x0];
	s2 =	stileid.u32  }
0x63: {  	s1 =	rddreg [dreg:$0x1];
	p0 =	sne.s32 s2, $0x0  }
0x64: {  	s3 =	rddreg [dreg:$0x2];
	[bflag:$0x3] =	sbarrier.arrive $0xFFFF;
	s2 =	simm.s32 @!p0 $0x1C01  }
0x65: {  	[timem:s3], [sflag:s2] =	dma.local @!p0 [hbm:s0], s1  }
0x66: {  	s0 =	simm.s32 @!p0 $0x1  }
0x67: {  	_ =	swait.ge @!p0 [sflag:s0], s1  }
0x68: {  	s1 =	ssub.s32 @!p0 $0x0, s1;
	[sflag:s0] =	ssyncset.done @!p0 $0x0  }
0x69: {  	[sflag:s0] =	ssyncadd.s32 @!p0 s1  }
0x6a: {  	[bflag:$0x3] =	sbarrier.arrive $0xFFFF  }
0x6b: {  	_ =	shalt  }

</sc_bundles>
